<compile_context>
chip_gen: v7x
topology: tpu7x:2x2x1
jax: 0.10.2.dev20260603
libtpu: 0.0.44.dev20260713+nightly
codegen_flags: <defaults>
</compile_context>

<pallas_src>
import functools

import jax
import jax.numpy as jnp
from jax import lax
from jax.experimental import pallas as pl
from jax.experimental.pallas import tpu as pltpu
from jax.experimental.pallas import tpu_sc as plsc

_N = 4096
_D = 512
_BN = 512
_R_SC = 2048
_NW = 32
_RC = 8


def _sc_s_body(adj_hbm, x0_hbm, s_hbm, x0_v, buf0, buf1, s_v, acc_m,
               sem0, sem1):
    cid = lax.axis_index("c")
    sid = lax.axis_index("s")
    wid = sid * 2 + cid
    rows = _R_SC // _NW
    base = wid * rows
    pltpu.sync_copy(x0_hbm, x0_v)
    nch = rows // _RC
    bufs = (buf0, buf1)
    sems = (sem0, sem1)
    pltpu.make_async_copy(
        adj_hbm.at[pl.ds(base, _RC), :], buf0, sem0).start()
    pltpu.make_async_copy(
        adj_hbm.at[pl.ds(base + _RC, _RC), :], buf1, sem1).start()
    lanes = lax.iota(jnp.int32, 16)

    def pair_body(g, _):
        for half in range(2):
            ch = g * 2 + half
            buf, sem = bufs[half], sems[half]
            pltpu.make_async_copy(
                adj_hbm.at[pl.ds(base + ch * _RC, _RC), :],
                buf, sem).wait()

            init = tuple(jnp.zeros((16,), jnp.float32) for _ in range(_RC))

            @plsc.parallel_loop(0, _N // 16, 1, unroll=4, carry=init)
            def col_body(c, accs, buf=buf):
                x = x0_v[pl.ds(c * 16, 16)]
                return tuple(
                    accs[r]
                    + buf[r, pl.ds(c * 16, 16)].astype(jnp.float32) * x
                    for r in range(_RC))

            for r in range(_RC):
                acc_m[half * _RC + r, :] = col_body[r]

            @pl.when(ch + 2 < nch)
            def _():
                pltpu.make_async_copy(
                    adj_hbm.at[pl.ds(base + (ch + 2) * _RC, _RC), :],
                    buf, sem).start()

        total = jnp.zeros((16,), jnp.float32)
        for j in range(16):
            col = plsc.load_gather(
                acc_m, [lanes, jnp.full((16,), j, jnp.int32)])
            total = total + col
        s_v[pl.ds(g * 16, 16)] = total
        return 0

    lax.fori_loop(0, nch // 2, pair_body, 0)
    pltpu.sync_copy(s_v, s_hbm.at[pl.ds(base, rows)])


@functools.partial(
    pl.kernel,
    out_type=jax.ShapeDtypeStruct((_R_SC,), jnp.float32),
    mesh=plsc.VectorSubcoreMesh(core_axis_name="c", subcore_axis_name="s"),
    scratch_types=[
        pltpu.VMEM((_N,), jnp.float32),
        pltpu.VMEM((_RC, _N), jnp.int32),
        pltpu.VMEM((_RC, _N), jnp.int32),
        pltpu.VMEM((_R_SC // _NW,), jnp.float32),
        pltpu.VMEM((16, 16), jnp.float32),
        pltpu.SemaphoreType.DMA,
        pltpu.SemaphoreType.DMA,
    ],
    compiler_params=pltpu.CompilerParams(needs_layout_passes=False),
)
def _sc_s(adj_hbm, x0_hbm, s_hbm, x0_v, buf0, buf1, s_v, acc_m, sem0, sem1):
    _sc_s_body(adj_hbm, x0_hbm, s_hbm, x0_v, buf0, buf1, s_v, acc_m,
               sem0, sem1)


def _tc_hi_body(x0_ref, nf_ref, adj_ref, ws_ref, wn_ref, out_ref):
    a = adj_ref[...]
    x0 = x0_ref[...]
    s = jnp.sum(a.astype(jnp.float32) * x0, axis=1, keepdims=True)
    w = jnp.sum(wn_ref[...], axis=1, keepdims=True)
    h = lax.dot_general(nf_ref[...], ws_ref[...],
                        (((1,), (1,)), ((), ())),
                        preferred_element_type=jnp.float32)
    neigh = lax.dot_general(s, w, (((1,), (1,)), ((), ())),
                            preferred_element_type=jnp.float32)
    out_ref[...] = jnp.maximum(h + neigh, 0.0)


def _tc_lo_body(prev_ref, s_ref, nf_ref, ws_ref, wn_ref, out_ref):
    del prev_ref
    s = s_ref[...]
    w = jnp.sum(wn_ref[...], axis=1, keepdims=True)
    h = lax.dot_general(nf_ref[...], ws_ref[...],
                        (((1,), (1,)), ((), ())),
                        preferred_element_type=jnp.float32)
    neigh = lax.dot_general(s, w, (((1,), (1,)), ((), ())),
                            preferred_element_type=jnp.float32)
    out_ref[...] = jnp.maximum(h + neigh, 0.0)


@jax.jit
def kernel(node_feats, adj_matrix, W_self, W_neigh):
    n, d = node_feats.shape
    x0 = node_feats[:, 0]
    s_lo = _sc_s(adj_matrix, x0)
    x0_row = x0.reshape(1, n)
    hi_blocks = (n - _R_SC) // _BN
    lo_blocks = _R_SC // _BN
    off = _R_SC // _BN

    out_hi = pl.pallas_call(
        _tc_hi_body,
        grid=(hi_blocks,),
        in_specs=[
            pl.BlockSpec((1, n), lambda i: (0, 0)),
            pl.BlockSpec((_BN, d), lambda i: (i + off, 0)),
            pl.BlockSpec((_BN, n), lambda i: (i + off, 0)),
            pl.BlockSpec((d, d), lambda i: (0, 0)),
            pl.BlockSpec((d, d), lambda i: (0, 0)),
        ],
        out_specs=pl.BlockSpec((_BN, d), lambda i: (i + off, 0)),
        out_shape=jax.ShapeDtypeStruct((n, d), jnp.float32),
        compiler_params=pltpu.CompilerParams(
            dimension_semantics=("arbitrary",),
        ),
    )(x0_row, node_feats, adj_matrix, W_self, W_neigh)

    return pl.pallas_call(
        _tc_lo_body,
        grid=(lo_blocks,),
        in_specs=[
            pl.BlockSpec(memory_space=pl.ANY),
            pl.BlockSpec((_BN, 1), lambda i: (i, 0)),
            pl.BlockSpec((_BN, d), lambda i: (i, 0)),
            pl.BlockSpec((d, d), lambda i: (0, 0)),
            pl.BlockSpec((d, d), lambda i: (0, 0)),
        ],
        out_specs=pl.BlockSpec((_BN, d), lambda i: (i, 0)),
        out_shape=jax.ShapeDtypeStruct((n, d), jnp.float32),
        input_output_aliases={0: 0},
        compiler_params=pltpu.CompilerParams(
            dimension_semantics=("arbitrary",),
        ),
    )(out_hi, s_lo.reshape(_R_SC, 1), node_feats, W_self, W_neigh)

# --- scband reference (transcript-rebuilt; emitter-appended) ---
"""Pipeline reference for scband-gnnlayer-89215060672583 (READ-ONLY COPY).

The authoritative reference and input builder live on the scoring server;
editing this copy changes nothing except your own understanding.
"""

import jax, jax.numpy as jnp
import numpy as np

N = 4096
D = 512

def setup_inputs(seed: int = 0) -> dict:
    key = jax.random.key(seed)
    k1, k2, k3, k4 = jax.random.split(key, 4)
    node_feats = jax.random.normal(k1, (N, D), dtype=jnp.float32)
    adj_matrix = jax.random.randint(k2, (N, N), 0, 2, dtype=jnp.int32)
    W_self = jax.random.normal(k3, (D, D), dtype=jnp.float32) * 0.02
    W_neigh = jax.random.normal(k4, (D, D), dtype=jnp.float32) * 0.02
    return {"node_feats": node_feats, "adj_matrix": adj_matrix, "W_self": W_self, "W_neigh": W_neigh}

def reference(node_feats, adj_matrix, W_self, W_neigh):
    # Original torch loop: for each node i, SumAggregation groups node_feats.T (shape [d, N])
    # by index adj_matrix[i] along dim=1 -> agg shape [d, K] with K = max(adj_matrix[i]) + 1.
    # If K == 2 (row has at least one 1), neigh_agg[i] = agg[0][1] (a scalar: sum over
    # neighbors j of node_feats[j, 0]) broadcast across all d features; else row stays zero.
    adj_f = adj_matrix.astype(node_feats.dtype)
    # agg[0][1] for row i == sum_j adj[i, j] * node_feats[j, 0]
    neigh_scalar = adj_f @ node_feats[:, 0]  # [N]
    has_neighbor = (jnp.max(adj_matrix, axis=1) == 1)  # K == 2 condition
    neigh_agg = jnp.where(has_neighbor[:, None], neigh_scalar[:, None], 0.0)
    neigh_agg = jnp.broadcast_to(neigh_agg, node_feats.shape)  # scalar broadcast across d
    out = jax.nn.relu(node_feats @ W_self.T + neigh_agg @ W_neigh.T)
    return out

if __name__ == "__main__":
    import jax
    _d = setup_inputs()
    print(jax.jit(kernel)(*tuple(_d.values())))

</pallas_src>

<mosaic_0001>
#map = affine_map<(d0, d1) -> (0, 0)>
#map1 = affine_map<(d0, d1) -> (0)>
module attributes {stable_mosaic.version = 14 : i64} {
  func.func @_sc_s(%arg0: i32, %arg1: i32, %arg2: memref<4096x4096xi32, #tpu.memory_space<hbm>>, %arg3: memref<4096xf32, #tpu.memory_space<hbm>>, %arg4: memref<2048xf32, #tpu.memory_space<hbm>>, %arg5: memref<4096xf32, #tpu.memory_space<vmem>>, %arg6: memref<8x4096xi32, #tpu.memory_space<vmem>>, %arg7: memref<8x4096xi32, #tpu.memory_space<vmem>>, %arg8: memref<64xf32, #tpu.memory_space<vmem>>, %arg9: memref<16x16xf32, #tpu.memory_space<vmem>>, %arg10: memref<!tpu.dma_semaphore, #tpu.memory_space<semaphore_mem>>, %arg11: memref<!tpu.dma_semaphore, #tpu.memory_space<semaphore_mem>>) attributes {dimension_semantics = [#tpu.dimension_semantics<core_parallel>, #tpu.dimension_semantics<subcore_parallel>], iteration_bounds = array<i64: 2, 16>, scalar_prefetch = 0 : i64, scratch_operands = 7 : i64, tpu.core_type = #tpu.core_type<sc_vector_subcore>, window_params = [{transform_indices = #map}, {transform_indices = #map1}, {transform_indices = #map1}]} {
    %mul3A = arith.constant 2 : i32
    %mul3A_0 = arith.muli %arg1, %mul3A : i32
    %add3A = arith.addi %mul3A_0, %arg0 : i32
    %mul3A_1 = arith.constant 64 : i32
    %mul3A_2 = arith.muli %add3A, %mul3A_1 : i32
    "tpu.region"() ({
      %run_scoped3A = tpu.sem_alloc : memref<!tpu.dma_semaphore, #tpu.memory_space<semaphore_mem>>
      tpu.enqueue_dma source(%arg3 : memref<4096xf32, #tpu.memory_space<hbm>>) target(%arg5 : memref<4096xf32, #tpu.memory_space<vmem>>) target_semaphore(%run_scoped3A : memref<!tpu.dma_semaphore, #tpu.memory_space<semaphore_mem>>)
      tpu.wait_dma2 semaphore(%run_scoped3A : memref<!tpu.dma_semaphore, #tpu.memory_space<semaphore_mem>>) src(%arg3 : memref<4096xf32, #tpu.memory_space<hbm>>) dst(%arg5 : memref<4096xf32, #tpu.memory_space<vmem>>)
      tpu.yield
    }) : () -> ()
    %dma_start3A = arith.constant 0 : i32
    %dma_start3A_3 = tpu.memref_slice %arg2[%mul3A_2, %dma_start3A] : memref<4096x4096xi32, #tpu.memory_space<hbm>> -> memref<8x4096xi32, #tpu.memory_space<hbm>>
    %dma_start3A_4 = arith.constant 0 : i32
    %dma_start3A_5 = tpu.memref_slice %arg2[%mul3A_2, %dma_start3A_4] : memref<4096x4096xi32, #tpu.memory_space<hbm>> -> memref<8x4096xi32, #tpu.memory_space<hbm>>
    tpu.enqueue_dma source(%dma_start3A_5 : memref<8x4096xi32, #tpu.memory_space<hbm>>) target(%arg6 : memref<8x4096xi32, #tpu.memory_space<vmem>>) target_semaphore(%arg10 : memref<!tpu.dma_semaphore, #tpu.memory_space<semaphore_mem>>)
    %add3A_6 = arith.constant 8 : i32
    %add3A_7 = arith.addi %mul3A_2, %add3A_6 : i32
    %dma_start3A_8 = arith.constant 0 : i32
    %dma_start3A_9 = tpu.memref_slice %arg2[%add3A_7, %dma_start3A_8] : memref<4096x4096xi32, #tpu.memory_space<hbm>> -> memref<8x4096xi32, #tpu.memory_space<hbm>>
    %dma_start3A_10 = arith.constant 0 : i32
    %dma_start3A_11 = tpu.memref_slice %arg2[%add3A_7, %dma_start3A_10] : memref<4096x4096xi32, #tpu.memory_space<hbm>> -> memref<8x4096xi32, #tpu.memory_space<hbm>>
    tpu.enqueue_dma source(%dma_start3A_11 : memref<8x4096xi32, #tpu.memory_space<hbm>>) target(%arg7 : memref<8x4096xi32, #tpu.memory_space<vmem>>) target_semaphore(%arg11 : memref<!tpu.dma_semaphore, #tpu.memory_space<semaphore_mem>>)
    %iota3A = tpu.iota {dimensions = array<i32: 0>} : vector<16xi32>
    %scan3A = arith.constant 0 : i32
    %scan3A_12 = arith.constant 0 : i32
    %scan3A_13 = arith.constant 4 : i32
    %scan3A_14 = arith.addi %scan3A_12, %scan3A_13 : i32
    %scan3A_15 = arith.constant 1 : i32
    %scan3A_16 = scf.for %scan3A_18 = %scan3A_12 to %scan3A_14 step %scan3A_15 iter_args(%scan3A_19 = %scan3A) -> (i32)  : i32 {
      %mul3A_20 = arith.constant 2 : i32
      %mul3A_21 = arith.muli %scan3A_18, %mul3A_20 : i32
      %add3A_22 = arith.constant 0 : i32
      %add3A_23 = arith.addi %mul3A_21, %add3A_22 : i32
      %mul3A_24 = arith.constant 8 : i32
      %mul3A_25 = arith.muli %add3A_23, %mul3A_24 : i32
      %add3A_26 = arith.addi %mul3A_2, %mul3A_25 : i32
      %dma_wait3A = arith.constant 0 : i32
      %dma_wait3A_27 = tpu.memref_slice %arg2[%add3A_26, %dma_wait3A] : memref<4096x4096xi32, #tpu.memory_space<hbm>> -> memref<8x4096xi32, #tpu.memory_space<hbm>>
      %dma_wait3A_28 = arith.constant 0 : i32
      %dma_wait3A_29 = tpu.memref_slice %arg2[%add3A_26, %dma_wait3A_28] : memref<4096x4096xi32, #tpu.memory_space<hbm>> -> memref<8x4096xi32, #tpu.memory_space<hbm>>
      tpu.wait_dma2 semaphore(%arg10 : memref<!tpu.dma_semaphore, #tpu.memory_space<semaphore_mem>>) src(%dma_wait3A_29 : memref<8x4096xi32, #tpu.memory_space<hbm>>) dst(%arg6 : memref<8x4096xi32, #tpu.memory_space<vmem>>)
      %broadcast_in_dim3A = arith.constant 0.000000e+00 : f32
      %broadcast_in_dim3A_30 = vector.broadcast %broadcast_in_dim3A : f32 to vector<16xf32>
      %broadcast_in_dim3A_31 = arith.constant 0.000000e+00 : f32
      %broadcast_in_dim3A_32 = vector.broadcast %broadcast_in_dim3A_31 : f32 to vector<16xf32>
      %broadcast_in_dim3A_33 = arith.constant 0.000000e+00 : f32
      %broadcast_in_dim3A_34 = vector.broadcast %broadcast_in_dim3A_33 : f32 to vector<16xf32>
      %broadcast_in_dim3A_35 = arith.constant 0.000000e+00 : f32
      %broadcast_in_dim3A_36 = vector.broadcast %broadcast_in_dim3A_35 : f32 to vector<16xf32>
      %broadcast_in_dim3A_37 = arith.constant 0.000000e+00 : f32
      %broadcast_in_dim3A_38 = vector.broadcast %broadcast_in_dim3A_37 : f32 to vector<16xf32>
      %broadcast_in_dim3A_39 = arith.constant 0.000000e+00 : f32
      %broadcast_in_dim3A_40 = vector.broadcast %broadcast_in_dim3A_39 : f32 to vector<16xf32>
      %broadcast_in_dim3A_41 = arith.constant 0.000000e+00 : f32
      %broadcast_in_dim3A_42 = vector.broadcast %broadcast_in_dim3A_41 : f32 to vector<16xf32>
      %broadcast_in_dim3A_43 = arith.constant 0.000000e+00 : f32
      %broadcast_in_dim3A_44 = vector.broadcast %broadcast_in_dim3A_43 : f32 to vector<16xf32>
      %parallel_loop3A = arith.constant 0 : i32
      %parallel_loop3A_45 = arith.constant 256 : i32
      %parallel_loop3A_46 = arith.constant 1 : i32
      %parallel_loop3A_47:8 = scf.for %parallel_loop3A_223 = %parallel_loop3A to %parallel_loop3A_45 step %parallel_loop3A_46 iter_args(%parallel_loop3A_224 = %broadcast_in_dim3A_30, %parallel_loop3A_225 = %broadcast_in_dim3A_32, %parallel_loop3A_226 = %broadcast_in_dim3A_34, %parallel_loop3A_227 = %broadcast_in_dim3A_36, %parallel_loop3A_228 = %broadcast_in_dim3A_38, %parallel_loop3A_229 = %broadcast_in_dim3A_40, %parallel_loop3A_230 = %broadcast_in_dim3A_42, %parallel_loop3A_231 = %broadcast_in_dim3A_44) -> (vector<16xf32>, vector<16xf32>, vector<16xf32>, vector<16xf32>, vector<16xf32>, vector<16xf32>, vector<16xf32>, vector<16xf32>)  : i32 {
        %parallel_loop3A_232 = arith.constant 16 : i32
        %parallel_loop3A_233 = arith.muli %parallel_loop3A_223, %parallel_loop3A_232 : i32
        %parallel_loop3A_234 = arith.index_cast %parallel_loop3A_233 : i32 to index
        %parallel_loop3A_235 = tpu.vector_load %arg5[%parallel_loop3A_234] {strides = array<i32>} : memref<4096xf32, #tpu.memory_space<vmem>>, vector<16xf32>,
        %parallel_loop3A_236 = arith.constant 16 : i32
        %parallel_loop3A_237 = arith.muli %parallel_loop3A_223, %parallel_loop3A_236 : i32
        %parallel_loop3A_238 = arith.constant 0 : i32
        %parallel_loop3A_239 = arith.index_cast %parallel_loop3A_238 : i32 to index
        %parallel_loop3A_240 = arith.index_cast %parallel_loop3A_237 : i32 to index
        %parallel_loop3A_241 = tpu.vector_load %arg6[%parallel_loop3A_239, %parallel_loop3A_240] {strides = array<i32>} : memref<8x4096xi32, #tpu.memory_space<vmem>>, vector<16xi32>,
        %parallel_loop3A_242 = arith.sitofp %parallel_loop3A_241 : vector<16xi32> to vector<16xf32>
        %parallel_loop3A_243 = arith.mulf %parallel_loop3A_242, %parallel_loop3A_235 : vector<16xf32>
        %parallel_loop3A_244 = arith.addf %parallel_loop3A_224, %parallel_loop3A_243 : vector<16xf32>
        %parallel_loop3A_245 = arith.constant 16 : i32
        %parallel_loop3A_246 = arith.muli %parallel_loop3A_223, %parallel_loop3A_245 : i32
        %parallel_loop3A_247 = arith.constant 1 : i32
        %parallel_loop3A_248 = arith.index_cast %parallel_loop3A_247 : i32 to index
        %parallel_loop3A_249 = arith.index_cast %parallel_loop3A_246 : i32 to index
        %parallel_loop3A_250 = tpu.vector_load %arg6[%parallel_loop3A_248, %parallel_loop3A_249] {strides = array<i32>} : memref<8x4096xi32, #tpu.memory_space<vmem>>, vector<16xi32>,
        %parallel_loop3A_251 = arith.sitofp %parallel_loop3A_250 : vector<16xi32> to vector<16xf32>
        %parallel_loop3A_252 = arith.mulf %parallel_loop3A_251, %parallel_loop3A_235 : vector<16xf32>
        %parallel_loop3A_253 = arith.addf %parallel_loop3A_225, %parallel_loop3A_252 : vector<16xf32>
        %parallel_loop3A_254 = arith.constant 16 : i32
        %parallel_loop3A_255 = arith.muli %parallel_loop3A_223, %parallel_loop3A_254 : i32
        %parallel_loop3A_256 = arith.constant 2 : i32
        %parallel_loop3A_257 = arith.index_cast %parallel_loop3A_256 : i32 to index
        %parallel_loop3A_258 = arith.index_cast %parallel_loop3A_255 : i32 to index
        %parallel_loop3A_259 = tpu.vector_load %arg6[%parallel_loop3A_257, %parallel_loop3A_258] {strides = array<i32>} : memref<8x4096xi32, #tpu.memory_space<vmem>>, vector<16xi32>,
        %parallel_loop3A_260 = arith.sitofp %parallel_loop3A_259 : vector<16xi32> to vector<16xf32>
        %parallel_loop3A_261 = arith.mulf %parallel_loop3A_260, %parallel_loop3A_235 : vector<16xf32>
        %parallel_loop3A_262 = arith.addf %parallel_loop3A_226, %parallel_loop3A_261 : vector<16xf32>
        %parallel_loop3A_263 = arith.constant 16 : i32
        %parallel_loop3A_264 = arith.muli %parallel_loop3A_223, %parallel_loop3A_263 : i32
        %parallel_loop3A_265 = arith.constant 3 : i32
        %parallel_loop3A_266 = arith.index_cast %parallel_loop3A_265 : i32 to index
        %parallel_loop3A_267 = arith.index_cast %parallel_loop3A_264 : i32 to index
        %parallel_loop3A_268 = tpu.vector_load %arg6[%parallel_loop3A_266, %parallel_loop3A_267] {strides = array<i32>} : memref<8x4096xi32, #tpu.memory_space<vmem>>, vector<16xi32>,
        %parallel_loop3A_269 = arith.sitofp %parallel_loop3A_268 : vector<16xi32> to vector<16xf32>
        %parallel_loop3A_270 = arith.mulf %parallel_loop3A_269, %parallel_loop3A_235 : vector<16xf32>
        %parallel_loop3A_271 = arith.addf %parallel_loop3A_227, %parallel_loop3A_270 : vector<16xf32>
        %parallel_loop3A_272 = arith.constant 16 : i32
        %parallel_loop3A_273 = arith.muli %parallel_loop3A_223, %parallel_loop3A_272 : i32
        %parallel_loop3A_274 = arith.constant 4 : i32
        %parallel_loop3A_275 = arith.index_cast %parallel_loop3A_274 : i32 to index
        %parallel_loop3A_276 = arith.index_cast %parallel_loop3A_273 : i32 to index
        %parallel_loop3A_277 = tpu.vector_load %arg6[%parallel_loop3A_275, %parallel_loop3A_276] {strides = array<i32>} : memref<8x4096xi32, #tpu.memory_space<vmem>>, vector<16xi32>,
        %parallel_loop3A_278 = arith.sitofp %parallel_loop3A_277 : vector<16xi32> to vector<16xf32>
        %parallel_loop3A_279 = arith.mulf %parallel_loop3A_278, %parallel_loop3A_235 : vector<16xf32>
        %parallel_loop3A_280 = arith.addf %parallel_loop3A_228, %parallel_loop3A_279 : vector<16xf32>
        %parallel_loop3A_281 = arith.constant 16 : i32
        %parallel_loop3A_282 = arith.muli %parallel_loop3A_223, %parallel_loop3A_281 : i32
        %parallel_loop3A_283 = arith.constant 5 : i32
        %parallel_loop3A_284 = arith.index_cast %parallel_loop3A_283 : i32 to index
        %parallel_loop3A_285 = arith.index_cast %parallel_loop3A_282 : i32 to index
        %parallel_loop3A_286 = tpu.vector_load %arg6[%parallel_loop3A_284, %parallel_loop3A_285] {strides = array<i32>} : memref<8x4096xi32, #tpu.memory_space<vmem>>, vector<16xi32>,
        %parallel_loop3A_287 = arith.sitofp %parallel_loop3A_286 : vector<16xi32> to vector<16xf32>
        %parallel_loop3A_288 = arith.mulf %parallel_loop3A_287, %parallel_loop3A_235 : vector<16xf32>
        %parallel_loop3A_289 = arith.addf %parallel_loop3A_229, %parallel_loop3A_288 : vector<16xf32>
        %parallel_loop3A_290 = arith.constant 16 : i32
        %parallel_loop3A_291 = arith.muli %parallel_loop3A_223, %parallel_loop3A_290 : i32
        %parallel_loop3A_292 = arith.constant 6 : i32
        %parallel_loop3A_293 = arith.index_cast %parallel_loop3A_292 : i32 to index
        %parallel_loop3A_294 = arith.index_cast %parallel_loop3A_291 : i32 to index
        %parallel_loop3A_295 = tpu.vector_load %arg6[%parallel_loop3A_293, %parallel_loop3A_294] {strides = array<i32>} : memref<8x4096xi32, #tpu.memory_space<vmem>>, vector<16xi32>,
        %parallel_loop3A_296 = arith.sitofp %parallel_loop3A_295 : vector<16xi32> to vector<16xf32>
        %parallel_loop3A_297 = arith.mulf %parallel_loop3A_296, %parallel_loop3A_235 : vector<16xf32>
        %parallel_loop3A_298 = arith.addf %parallel_loop3A_230, %parallel_loop3A_297 : vector<16xf32>
        %parallel_loop3A_299 = arith.constant 16 : i32
        %parallel_loop3A_300 = arith.muli %parallel_loop3A_223, %parallel_loop3A_299 : i32
        %parallel_loop3A_301 = arith.constant 7 : i32
        %parallel_loop3A_302 = arith.index_cast %parallel_loop3A_301 : i32 to index
        %parallel_loop3A_303 = arith.index_cast %parallel_loop3A_300 : i32 to index
        %parallel_loop3A_304 = tpu.vector_load %arg6[%parallel_loop3A_302, %parallel_loop3A_303] {strides = array<i32>} : memref<8x4096xi32, #tpu.memory_space<vmem>>, vector<16xi32>,
        %parallel_loop3A_305 = arith.sitofp %parallel_loop3A_304 : vector<16xi32> to vector<16xf32>
        %parallel_loop3A_306 = arith.mulf %parallel_loop3A_305, %parallel_loop3A_235 : vector<16xf32>
        %parallel_loop3A_307 = arith.addf %parallel_loop3A_231, %parallel_loop3A_306 : vector<16xf32>
        scf.yield %parallel_loop3A_244, %parallel_loop3A_253, %parallel_loop3A_262, %parallel_loop3A_271, %parallel_loop3A_280, %parallel_loop3A_289, %parallel_loop3A_298, %parallel_loop3A_307 : vector<16xf32>, vector<16xf32>, vector<16xf32>, vector<16xf32>, vector<16xf32>, vector<16xf32>, vector<16xf32>, vector<16xf32>
      } {sc.loop_unroll_factor = 4 : i64, sc.parallel_access}
      %swap3A = arith.constant 0 : i32
      %swap3A_48 = arith.index_cast %swap3A : i32 to index
      %swap3A_49 = arith.constant 0 : index
      %swap3A_50 = tpu.vector_load %arg9[%swap3A_48, %swap3A_49] {strides = array<i32>} : memref<16x16xf32, #tpu.memory_space<vmem>>, vector<16xf32>,
      tpu.vector_store %arg9[%swap3A_48, %swap3A_49], %parallel_loop3A_47#0 {strides = array<i32>} : memref<16x16xf32, #tpu.memory_space<vmem>>, vector<16xf32>,
      %swap3A_51 = arith.constant 1 : i32
      %swap3A_52 = arith.index_cast %swap3A_51 : i32 to index
      %swap3A_53 = arith.constant 0 : index
      %swap3A_54 = tpu.vector_load %arg9[%swap3A_52, %swap3A_53] {strides = array<i32>} : memref<16x16xf32, #tpu.memory_space<vmem>>, vector<16xf32>,
      tpu.vector_store %arg9[%swap3A_52, %swap3A_53], %parallel_loop3A_47#1 {strides = array<i32>} : memref<16x16xf32, #tpu.memory_space<vmem>>, vector<16xf32>,
      %swap3A_55 = arith.constant 2 : i32
      %swap3A_56 = arith.index_cast %swap3A_55 : i32 to index
      %swap3A_57 = arith.constant 0 : index
      %swap3A_58 = tpu.vector_load %arg9[%swap3A_56, %swap3A_57] {strides = array<i32>} : memref<16x16xf32, #tpu.memory_space<vmem>>, vector<16xf32>,
      tpu.vector_store %arg9[%swap3A_56, %swap3A_57], %parallel_loop3A_47#2 {strides = array<i32>} : memref<16x16xf32, #tpu.memory_space<vmem>>, vector<16xf32>,
      %swap3A_59 = arith.constant 3 : i32
      %swap3A_60 = arith.index_cast %swap3A_59 : i32 to index
      %swap3A_61 = arith.constant 0 : index
      %swap3A_62 = tpu.vector_load %arg9[%swap3A_60, %swap3A_61] {strides = array<i32>} : memref<16x16xf32, #tpu.memory_space<vmem>>, vector<16xf32>,
      tpu.vector_store %arg9[%swap3A_60, %swap3A_61], %parallel_loop3A_47#3 {strides = array<i32>} : memref<16x16xf32, #tpu.memory_space<vmem>>, vector<16xf32>,
      %swap3A_63 = arith.constant 4 : i32
      %swap3A_64 = arith.index_cast %swap3A_63 : i32 to index
      %swap3A_65 = arith.constant 0 : index
      %swap3A_66 = tpu.vector_load %arg9[%swap3A_64, %swap3A_65] {strides = array<i32>} : memref<16x16xf32, #tpu.memory_space<vmem>>, vector<16xf32>,
      tpu.vector_store %arg9[%swap3A_64, %swap3A_65], %parallel_loop3A_47#4 {strides = array<i32>} : memref<16x16xf32, #tpu.memory_space<vmem>>, vector<16xf32>,
      %swap3A_67 = arith.constant 5 : i32
      %swap3A_68 = arith.index_cast %swap3A_67 : i32 to index
      %swap3A_69 = arith.constant 0 : index
      %swap3A_70 = tpu.vector_load %arg9[%swap3A_68, %swap3A_69] {strides = array<i32>} : memref<16x16xf32, #tpu.memory_space<vmem>>, vector<16xf32>,
      tpu.vector_store %arg9[%swap3A_68, %swap3A_69], %parallel_loop3A_47#5 {strides = array<i32>} : memref<16x16xf32, #tpu.memory_space<vmem>>, vector<16xf32>,
      %swap3A_71 = arith.constant 6 : i32
      %swap3A_72 = arith.index_cast %swap3A_71 : i32 to index
      %swap3A_73 = arith.constant 0 : index
      %swap3A_74 = tpu.vector_load %arg9[%swap3A_72, %swap3A_73] {strides = array<i32>} : memref<16x16xf32, #tpu.memory_space<vmem>>, vector<16xf32>,
      tpu.vector_store %arg9[%swap3A_72, %swap3A_73], %parallel_loop3A_47#6 {strides = array<i32>} : memref<16x16xf32, #tpu.memory_space<vmem>>, vector<16xf32>,
      %swap3A_75 = arith.constant 7 : i32
      %swap3A_76 = arith.index_cast %swap3A_75 : i32 to index
      %swap3A_77 = arith.constant 0 : index
      %swap3A_78 = tpu.vector_load %arg9[%swap3A_76, %swap3A_77] {strides = array<i32>} : memref<16x16xf32, #tpu.memory_space<vmem>>, vector<16xf32>,
      tpu.vector_store %arg9[%swap3A_76, %swap3A_77], %parallel_loop3A_47#7 {strides = array<i32>} : memref<16x16xf32, #tpu.memory_space<vmem>>, vector<16xf32>,
      %add3A_79 = arith.constant 2 : i32
      %add3A_80 = arith.addi %add3A_23, %add3A_79 : i32
      %lt3A = arith.constant 8 : i32
      %lt3A_81 = arith.cmpi slt, %add3A_80, %lt3A : i32
      %convert_element_type3A = arith.extui %lt3A_81 : i1 to i32
      %cond3A = arith.constant 0 : i32
      %cond3A_82 = arith.cmpi ne, %convert_element_type3A, %cond3A : i32
      scf.if %cond3A_82 {
        %add3A_223 = arith.constant 2 : i32
        %add3A_224 = arith.addi %add3A_23, %add3A_223 : i32
        %mul3A_225 = arith.constant 8 : i32
        %mul3A_226 = arith.muli %add3A_224, %mul3A_225 : i32
        %add3A_227 = arith.addi %mul3A_2, %mul3A_226 : i32
        %dma_start3A_228 = arith.constant 0 : i32
        %dma_start3A_229 = tpu.memref_slice %arg2[%add3A_227, %dma_start3A_228] : memref<4096x4096xi32, #tpu.memory_space<hbm>> -> memref<8x4096xi32, #tpu.memory_space<hbm>>
        %dma_start3A_230 = arith.constant 0 : i32
        %dma_start3A_231 = tpu.memref_slice %arg2[%add3A_227, %dma_start3A_230] : memref<4096x4096xi32, #tpu.memory_space<hbm>> -> memref<8x4096xi32, #tpu.memory_space<hbm>>
        tpu.enqueue_dma source(%dma_start3A_231 : memref<8x4096xi32, #tpu.memory_space<hbm>>) target(%arg6 : memref<8x4096xi32, #tpu.memory_space<vmem>>) target_semaphore(%arg10 : memref<!tpu.dma_semaphore, #tpu.memory_space<semaphore_mem>>)
      } else {
      }
      %mul3A_83 = arith.constant 2 : i32
      %mul3A_84 = arith.muli %scan3A_18, %mul3A_83 : i32
      %add3A_85 = arith.constant 1 : i32
      %add3A_86 = arith.addi %mul3A_84, %add3A_85 : i32
      %mul3A_87 = arith.constant 8 : i32
      %mul3A_88 = arith.muli %add3A_86, %mul3A_87 : i32
      %add3A_89 = arith.addi %mul3A_2, %mul3A_88 : i32
      %dma_wait3A_90 = arith.constant 0 : i32
      %dma_wait3A_91 = tpu.memref_slice %arg2[%add3A_89, %dma_wait3A_90] : memref<4096x4096xi32, #tpu.memory_space<hbm>> -> memref<8x4096xi32, #tpu.memory_space<hbm>>
      %dma_wait3A_92 = arith.constant 0 : i32
      %dma_wait3A_93 = tpu.memref_slice %arg2[%add3A_89, %dma_wait3A_92] : memref<4096x4096xi32, #tpu.memory_space<hbm>> -> memref<8x4096xi32, #tpu.memory_space<hbm>>
      tpu.wait_dma2 semaphore(%arg11 : memref<!tpu.dma_semaphore, #tpu.memory_space<semaphore_mem>>) src(%dma_wait3A_93 : memref<8x4096xi32, #tpu.memory_space<hbm>>) dst(%arg7 : memref<8x4096xi32, #tpu.memory_space<vmem>>)
      %broadcast_in_dim3A_94 = arith.constant 0.000000e+00 : f32
      %broadcast_in_dim3A_95 = vector.broadcast %broadcast_in_dim3A_94 : f32 to vector<16xf32>
      %broadcast_in_dim3A_96 = arith.constant 0.000000e+00 : f32
      %broadcast_in_dim3A_97 = vector.broadcast %broadcast_in_dim3A_96 : f32 to vector<16xf32>
      %broadcast_in_dim3A_98 = arith.constant 0.000000e+00 : f32
      %broadcast_in_dim3A_99 = vector.broadcast %broadcast_in_dim3A_98 : f32 to vector<16xf32>
      %broadcast_in_dim3A_100 = arith.constant 0.000000e+00 : f32
      %broadcast_in_dim3A_101 = vector.broadcast %broadcast_in_dim3A_100 : f32 to vector<16xf32>
      %broadcast_in_dim3A_102 = arith.constant 0.000000e+00 : f32
      %broadcast_in_dim3A_103 = vector.broadcast %broadcast_in_dim3A_102 : f32 to vector<16xf32>
      %broadcast_in_dim3A_104 = arith.constant 0.000000e+00 : f32
      %broadcast_in_dim3A_105 = vector.broadcast %broadcast_in_dim3A_104 : f32 to vector<16xf32>
      %broadcast_in_dim3A_106 = arith.constant 0.000000e+00 : f32
      %broadcast_in_dim3A_107 = vector.broadcast %broadcast_in_dim3A_106 : f32 to vector<16xf32>
      %broadcast_in_dim3A_108 = arith.constant 0.000000e+00 : f32
      %broadcast_in_dim3A_109 = vector.broadcast %broadcast_in_dim3A_108 : f32 to vector<16xf32>
      %parallel_loop3A_110 = arith.constant 0 : i32
      %parallel_loop3A_111 = arith.constant 256 : i32
      %parallel_loop3A_112 = arith.constant 1 : i32
      %parallel_loop3A_113:8 = scf.for %parallel_loop3A_223 = %parallel_loop3A_110 to %parallel_loop3A_111 step %parallel_loop3A_112 iter_args(%parallel_loop3A_224 = %broadcast_in_dim3A_95, %parallel_loop3A_225 = %broadcast_in_dim3A_97, %parallel_loop3A_226 = %broadcast_in_dim3A_99, %parallel_loop3A_227 = %broadcast_in_dim3A_101, %parallel_loop3A_228 = %broadcast_in_dim3A_103, %parallel_loop3A_229 = %broadcast_in_dim3A_105, %parallel_loop3A_230 = %broadcast_in_dim3A_107, %parallel_loop3A_231 = %broadcast_in_dim3A_109) -> (vector<16xf32>, vector<16xf32>, vector<16xf32>, vector<16xf32>, vector<16xf32>, vector<16xf32>, vector<16xf32>, vector<16xf32>)  : i32 {
        %parallel_loop3A_232 = arith.constant 16 : i32
        %parallel_loop3A_233 = arith.muli %parallel_loop3A_223, %parallel_loop3A_232 : i32
        %parallel_loop3A_234 = arith.index_cast %parallel_loop3A_233 : i32 to index
        %parallel_loop3A_235 = tpu.vector_load %arg5[%parallel_loop3A_234] {strides = array<i32>} : memref<4096xf32, #tpu.memory_space<vmem>>, vector<16xf32>,
        %parallel_loop3A_236 = arith.constant 16 : i32
        %parallel_loop3A_237 = arith.muli %parallel_loop3A_223, %parallel_loop3A_236 : i32
        %parallel_loop3A_238 = arith.constant 0 : i32
        %parallel_loop3A_239 = arith.index_cast %parallel_loop3A_238 : i32 to index
        %parallel_loop3A_240 = arith.index_cast %parallel_loop3A_237 : i32 to index
        %parallel_loop3A_241 = tpu.vector_load %arg7[%parallel_loop3A_239, %parallel_loop3A_240] {strides = array<i32>} : memref<8x4096xi32, #tpu.memory_space<vmem>>, vector<16xi32>,
        %parallel_loop3A_242 = arith.sitofp %parallel_loop3A_241 : vector<16xi32> to vector<16xf32>
        %parallel_loop3A_243 = arith.mulf %parallel_loop3A_242, %parallel_loop3A_235 : vector<16xf32>
        %parallel_loop3A_244 = arith.addf %parallel_loop3A_224, %parallel_loop3A_243 : vector<16xf32>
        %parallel_loop3A_245 = arith.constant 16 : i32
        %parallel_loop3A_246 = arith.muli %parallel_loop3A_223, %parallel_loop3A_245 : i32
        %parallel_loop3A_247 = arith.constant 1 : i32
        %parallel_loop3A_248 = arith.index_cast %parallel_loop3A_247 : i32 to index
        %parallel_loop3A_249 = arith.index_cast %parallel_loop3A_246 : i32 to index
        %parallel_loop3A_250 = tpu.vector_load %arg7[%parallel_loop3A_248, %parallel_loop3A_249] {strides = array<i32>} : memref<8x4096xi32, #tpu.memory_space<vmem>>, vector<16xi32>,
        %parallel_loop3A_251 = arith.sitofp %parallel_loop3A_250 : vector<16xi32> to vector<16xf32>
        %parallel_loop3A_252 = arith.mulf %parallel_loop3A_251, %parallel_loop3A_235 : vector<16xf32>
        %parallel_loop3A_253 = arith.addf %parallel_loop3A_225, %parallel_loop3A_252 : vector<16xf32>
        %parallel_loop3A_254 = arith.constant 16 : i32
        %parallel_loop3A_255 = arith.muli %parallel_loop3A_223, %parallel_loop3A_254 : i32
        %parallel_loop3A_256 = arith.constant 2 : i32
        %parallel_loop3A_257 = arith.index_cast %parallel_loop3A_256 : i32 to index
        %parallel_loop3A_258 = arith.index_cast %parallel_loop3A_255 : i32 to index
        %parallel_loop3A_259 = tpu.vector_load %arg7[%parallel_loop3A_257, %parallel_loop3A_258] {strides = array<i32>} : memref<8x4096xi32, #tpu.memory_space<vmem>>, vector<16xi32>,
        %parallel_loop3A_260 = arith.sitofp %parallel_loop3A_259 : vector<16xi32> to vector<16xf32>
        %parallel_loop3A_261 = arith.mulf %parallel_loop3A_260, %parallel_loop3A_235 : vector<16xf32>
        %parallel_loop3A_262 = arith.addf %parallel_loop3A_226, %parallel_loop3A_261 : vector<16xf32>
        %parallel_loop3A_263 = arith.constant 16 : i32
        %parallel_loop3A_264 = arith.muli %parallel_loop3A_223, %parallel_loop3A_263 : i32
        %parallel_loop3A_265 = arith.constant 3 : i32
        %parallel_loop3A_266 = arith.index_cast %parallel_loop3A_265 : i32 to index
        %parallel_loop3A_267 = arith.index_cast %parallel_loop3A_264 : i32 to index
        %parallel_loop3A_268 = tpu.vector_load %arg7[%parallel_loop3A_266, %parallel_loop3A_267] {strides = array<i32>} : memref<8x4096xi32, #tpu.memory_space<vmem>>, vector<16xi32>,
        %parallel_loop3A_269 = arith.sitofp %parallel_loop3A_268 : vector<16xi32> to vector<16xf32>
        %parallel_loop3A_270 = arith.mulf %parallel_loop3A_269, %parallel_loop3A_235 : vector<16xf32>
        %parallel_loop3A_271 = arith.addf %parallel_loop3A_227, %parallel_loop3A_270 : vector<16xf32>
        %parallel_loop3A_272 = arith.constant 16 : i32
        %parallel_loop3A_273 = arith.muli %parallel_loop3A_223, %parallel_loop3A_272 : i32
        %parallel_loop3A_274 = arith.constant 4 : i32
        %parallel_loop3A_275 = arith.index_cast %parallel_loop3A_274 : i32 to index
        %parallel_loop3A_276 = arith.index_cast %parallel_loop3A_273 : i32 to index
        %parallel_loop3A_277 = tpu.vector_load %arg7[%parallel_loop3A_275, %parallel_loop3A_276] {strides = array<i32>} : memref<8x4096xi32, #tpu.memory_space<vmem>>, vector<16xi32>,
        %parallel_loop3A_278 = arith.sitofp %parallel_loop3A_277 : vector<16xi32> to vector<16xf32>
        %parallel_loop3A_279 = arith.mulf %parallel_loop3A_278, %parallel_loop3A_235 : vector<16xf32>
        %parallel_loop3A_280 = arith.addf %parallel_loop3A_228, %parallel_loop3A_279 : vector<16xf32>
        %parallel_loop3A_281 = arith.constant 16 : i32
        %parallel_loop3A_282 = arith.muli %parallel_loop3A_223, %parallel_loop3A_281 : i32
        %parallel_loop3A_283 = arith.constant 5 : i32
        %parallel_loop3A_284 = arith.index_cast %parallel_loop3A_283 : i32 to index
        %parallel_loop3A_285 = arith.index_cast %parallel_loop3A_282 : i32 to index
        %parallel_loop3A_286 = tpu.vector_load %arg7[%parallel_loop3A_284, %parallel_loop3A_285] {strides = array<i32>} : memref<8x4096xi32, #tpu.memory_space<vmem>>, vector<16xi32>,
        %parallel_loop3A_287 = arith.sitofp %parallel_loop3A_286 : vector<16xi32> to vector<16xf32>
        %parallel_loop3A_288 = arith.mulf %parallel_loop3A_287, %parallel_loop3A_235 : vector<16xf32>
        %parallel_loop3A_289 = arith.addf %parallel_loop3A_229, %parallel_loop3A_288 : vector<16xf32>
        %parallel_loop3A_290 = arith.constant 16 : i32
        %parallel_loop3A_291 = arith.muli %parallel_loop3A_223, %parallel_loop3A_290 : i32
        %parallel_loop3A_292 = arith.constant 6 : i32
        %parallel_loop3A_293 = arith.index_cast %parallel_loop3A_292 : i32 to index
        %parallel_loop3A_294 = arith.index_cast %parallel_loop3A_291 : i32 to index
        %parallel_loop3A_295 = tpu.vector_load %arg7[%parallel_loop3A_293, %parallel_loop3A_294] {strides = array<i32>} : memref<8x4096xi32, #tpu.memory_space<vmem>>, vector<16xi32>,
        %parallel_loop3A_296 = arith.sitofp %parallel_loop3A_295 : vector<16xi32> to vector<16xf32>
        %parallel_loop3A_297 = arith.mulf %parallel_loop3A_296, %parallel_loop3A_235 : vector<16xf32>
        %parallel_loop3A_298 = arith.addf %parallel_loop3A_230, %parallel_loop3A_297 : vector<16xf32>
        %parallel_loop3A_299 = arith.constant 16 : i32
        %parallel_loop3A_300 = arith.muli %parallel_loop3A_223, %parallel_loop3A_299 : i32
        %parallel_loop3A_301 = arith.constant 7 : i32
        %parallel_loop3A_302 = arith.index_cast %parallel_loop3A_301 : i32 to index
        %parallel_loop3A_303 = arith.index_cast %parallel_loop3A_300 : i32 to index
        %parallel_loop3A_304 = tpu.vector_load %arg7[%parallel_loop3A_302, %parallel_loop3A_303] {strides = array<i32>} : memref<8x4096xi32, #tpu.memory_space<vmem>>, vector<16xi32>,
        %parallel_loop3A_305 = arith.sitofp %parallel_loop3A_304 : vector<16xi32> to vector<16xf32>
        %parallel_loop3A_306 = arith.mulf %parallel_loop3A_305, %parallel_loop3A_235 : vector<16xf32>
        %parallel_loop3A_307 = arith.addf %parallel_loop3A_231, %parallel_loop3A_306 : vector<16xf32>
        scf.yield %parallel_loop3A_244, %parallel_loop3A_253, %parallel_loop3A_262, %parallel_loop3A_271, %parallel_loop3A_280, %parallel_loop3A_289, %parallel_loop3A_298, %parallel_loop3A_307 : vector<16xf32>, vector<16xf32>, vector<16xf32>, vector<16xf32>, vector<16xf32>, vector<16xf32>, vector<16xf32>, vector<16xf32>
      } {sc.loop_unroll_factor = 4 : i64, sc.parallel_access}
      %swap3A_114 = arith.constant 8 : i32
      %swap3A_115 = arith.index_cast %swap3A_114 : i32 to index
      %swap3A_116 = arith.constant 0 : index
      %swap3A_117 = tpu.vector_load %arg9[%swap3A_115, %swap3A_116] {strides = array<i32>} : memref<16x16xf32, #tpu.memory_space<vmem>>, vector<16xf32>,
      tpu.vector_store %arg9[%swap3A_115, %swap3A_116], %parallel_loop3A_113#0 {strides = array<i32>} : memref<16x16xf32, #tpu.memory_space<vmem>>, vector<16xf32>,
      %swap3A_118 = arith.constant 9 : i32
      %swap3A_119 = arith.index_cast %swap3A_118 : i32 to index
      %swap3A_120 = arith.constant 0 : index
      %swap3A_121 = tpu.vector_load %arg9[%swap3A_119, %swap3A_120] {strides = array<i32>} : memref<16x16xf32, #tpu.memory_space<vmem>>, vector<16xf32>,
      tpu.vector_store %arg9[%swap3A_119, %swap3A_120], %parallel_loop3A_113#1 {strides = array<i32>} : memref<16x16xf32, #tpu.memory_space<vmem>>, vector<16xf32>,
      %swap3A_122 = arith.constant 10 : i32
      %swap3A_123 = arith.index_cast %swap3A_122 : i32 to index
      %swap3A_124 = arith.constant 0 : index
      %swap3A_125 = tpu.vector_load %arg9[%swap3A_123, %swap3A_124] {strides = array<i32>} : memref<16x16xf32, #tpu.memory_space<vmem>>, vector<16xf32>,
      tpu.vector_store %arg9[%swap3A_123, %swap3A_124], %parallel_loop3A_113#2 {strides = array<i32>} : memref<16x16xf32, #tpu.memory_space<vmem>>, vector<16xf32>,
      %swap3A_126 = arith.constant 11 : i32
      %swap3A_127 = arith.index_cast %swap3A_126 : i32 to index
      %swap3A_128 = arith.constant 0 : index
      %swap3A_129 = tpu.vector_load %arg9[%swap3A_127, %swap3A_128] {strides = array<i32>} : memref<16x16xf32, #tpu.memory_space<vmem>>, vector<16xf32>,
      tpu.vector_store %arg9[%swap3A_127, %swap3A_128], %parallel_loop3A_113#3 {strides = array<i32>} : memref<16x16xf32, #tpu.memory_space<vmem>>, vector<16xf32>,
      %swap3A_130 = arith.constant 12 : i32
      %swap3A_131 = arith.index_cast %swap3A_130 : i32 to index
      %swap3A_132 = arith.constant 0 : index
      %swap3A_133 = tpu.vector_load %arg9[%swap3A_131, %swap3A_132] {strides = array<i32>} : memref<16x16xf32, #tpu.memory_space<vmem>>, vector<16xf32>,
      tpu.vector_store %arg9[%swap3A_131, %swap3A_132], %parallel_loop3A_113#4 {strides = array<i32>} : memref<16x16xf32, #tpu.memory_space<vmem>>, vector<16xf32>,
      %swap3A_134 = arith.constant 13 : i32
      %swap3A_135 = arith.index_cast %swap3A_134 : i32 to index
      %swap3A_136 = arith.constant 0 : index
      %swap3A_137 = tpu.vector_load %arg9[%swap3A_135, %swap3A_136] {strides = array<i32>} : memref<16x16xf32, #tpu.memory_space<vmem>>, vector<16xf32>,
      tpu.vector_store %arg9[%swap3A_135, %swap3A_136], %parallel_loop3A_113#5 {strides = array<i32>} : memref<16x16xf32, #tpu.memory_space<vmem>>, vector<16xf32>,
      %swap3A_138 = arith.constant 14 : i32
      %swap3A_139 = arith.index_cast %swap3A_138 : i32 to index
      %swap3A_140 = arith.constant 0 : index
      %swap3A_141 = tpu.vector_load %arg9[%swap3A_139, %swap3A_140] {strides = array<i32>} : memref<16x16xf32, #tpu.memory_space<vmem>>, vector<16xf32>,
      tpu.vector_store %arg9[%swap3A_139, %swap3A_140], %parallel_loop3A_113#6 {strides = array<i32>} : memref<16x16xf32, #tpu.memory_space<vmem>>, vector<16xf32>,
      %swap3A_142 = arith.constant 15 : i32
      %swap3A_143 = arith.index_cast %swap3A_142 : i32 to index
      %swap3A_144 = arith.constant 0 : index
      %swap3A_145 = tpu.vector_load %arg9[%swap3A_143, %swap3A_144] {strides = array<i32>} : memref<16x16xf32, #tpu.memory_space<vmem>>, vector<16xf32>,
      tpu.vector_store %arg9[%swap3A_143, %swap3A_144], %parallel_loop3A_113#7 {strides = array<i32>} : memref<16x16xf32, #tpu.memory_space<vmem>>, vector<16xf32>,
      %add3A_146 = arith.constant 2 : i32
      %add3A_147 = arith.addi %add3A_86, %add3A_146 : i32
      %lt3A_148 = arith.constant 8 : i32
      %lt3A_149 = arith.cmpi slt, %add3A_147, %lt3A_148 : i32
      %convert_element_type3A_150 = arith.extui %lt3A_149 : i1 to i32
      %cond3A_151 = arith.constant 0 : i32
      %cond3A_152 = arith.cmpi ne, %convert_element_type3A_150, %cond3A_151 : i32
      scf.if %cond3A_152 {
        %add3A_223 = arith.constant 2 : i32
        %add3A_224 = arith.addi %add3A_86, %add3A_223 : i32
        %mul3A_225 = arith.constant 8 : i32
        %mul3A_226 = arith.muli %add3A_224, %mul3A_225 : i32
        %add3A_227 = arith.addi %mul3A_2, %mul3A_226 : i32
        %dma_start3A_228 = arith.constant 0 : i32
        %dma_start3A_229 = tpu.memref_slice %arg2[%add3A_227, %dma_start3A_228] : memref<4096x4096xi32, #tpu.memory_space<hbm>> -> memref<8x4096xi32, #tpu.memory_space<hbm>>
        %dma_start3A_230 = arith.constant 0 : i32
        %dma_start3A_231 = tpu.memref_slice %arg2[%add3A_227, %dma_start3A_230] : memref<4096x4096xi32, #tpu.memory_space<hbm>> -> memref<8x4096xi32, #tpu.memory_space<hbm>>
        tpu.enqueue_dma source(%dma_start3A_231 : memref<8x4096xi32, #tpu.memory_space<hbm>>) target(%arg7 : memref<8x4096xi32, #tpu.memory_space<vmem>>) target_semaphore(%arg11 : memref<!tpu.dma_semaphore, #tpu.memory_space<semaphore_mem>>)
      } else {
      }
      %broadcast_in_dim3A_153 = arith.constant 0.000000e+00 : f32
      %broadcast_in_dim3A_154 = vector.broadcast %broadcast_in_dim3A_153 : f32 to vector<16xf32>
      %broadcast_in_dim3A_155 = arith.constant 0 : i32
      %broadcast_in_dim3A_156 = vector.broadcast %broadcast_in_dim3A_155 : i32 to vector<16xi32>
      %gather3A = tpu.vector_load_idx %arg9[%iota3A, %broadcast_in_dim3A_156] : memref<16x16xf32, #tpu.memory_space<vmem>>[vector<16xi32>, vector<16xi32>], vector<16xf32>,
      %add3A_157 = arith.addf %broadcast_in_dim3A_154, %gather3A : vector<16xf32>
      %broadcast_in_dim3A_158 = arith.constant 1 : i32
      %broadcast_in_dim3A_159 = vector.broadcast %broadcast_in_dim3A_158 : i32 to vector<16xi32>
      %gather3A_160 = tpu.vector_load_idx %arg9[%iota3A, %broadcast_in_dim3A_159] : memref<16x16xf32, #tpu.memory_space<vmem>>[vector<16xi32>, vector<16xi32>], vector<16xf32>,
      %add3A_161 = arith.addf %add3A_157, %gather3A_160 : vector<16xf32>
      %broadcast_in_dim3A_162 = arith.constant 2 : i32
      %broadcast_in_dim3A_163 = vector.broadcast %broadcast_in_dim3A_162 : i32 to vector<16xi32>
      %gather3A_164 = tpu.vector_load_idx %arg9[%iota3A, %broadcast_in_dim3A_163] : memref<16x16xf32, #tpu.memory_space<vmem>>[vector<16xi32>, vector<16xi32>], vector<16xf32>,
      %add3A_165 = arith.addf %add3A_161, %gather3A_164 : vector<16xf32>
      %broadcast_in_dim3A_166 = arith.constant 3 : i32
      %broadcast_in_dim3A_167 = vector.broadcast %broadcast_in_dim3A_166 : i32 to vector<16xi32>
      %gather3A_168 = tpu.vector_load_idx %arg9[%iota3A, %broadcast_in_dim3A_167] : memref<16x16xf32, #tpu.memory_space<vmem>>[vector<16xi32>, vector<16xi32>], vector<16xf32>,
      %add3A_169 = arith.addf %add3A_165, %gather3A_168 : vector<16xf32>
      %broadcast_in_dim3A_170 = arith.constant 4 : i32
      %broadcast_in_dim3A_171 = vector.broadcast %broadcast_in_dim3A_170 : i32 to vector<16xi32>
      %gather3A_172 = tpu.vector_load_idx %arg9[%iota3A, %broadcast_in_dim3A_171] : memref<16x16xf32, #tpu.memory_space<vmem>>[vector<16xi32>, vector<16xi32>], vector<16xf32>,
      %add3A_173 = arith.addf %add3A_169, %gather3A_172 : vector<16xf32>
      %broadcast_in_dim3A_174 = arith.constant 5 : i32
      %broadcast_in_dim3A_175 = vector.broadcast %broadcast_in_dim3A_174 : i32 to vector<16xi32>
      %gather3A_176 = tpu.vector_load_idx %arg9[%iota3A, %broadcast_in_dim3A_175] : memref<16x16xf32, #tpu.memory_space<vmem>>[vector<16xi32>, vector<16xi32>], vector<16xf32>,
      %add3A_177 = arith.addf %add3A_173, %gather3A_176 : vector<16xf32>
      %broadcast_in_dim3A_178 = arith.constant 6 : i32
      %broadcast_in_dim3A_179 = vector.broadcast %broadcast_in_dim3A_178 : i32 to vector<16xi32>
      %gather3A_180 = tpu.vector_load_idx %arg9[%iota3A, %broadcast_in_dim3A_179] : memref<16x16xf32, #tpu.memory_space<vmem>>[vector<16xi32>, vector<16xi32>], vector<16xf32>,
      %add3A_181 = arith.addf %add3A_177, %gather3A_180 : vector<16xf32>
      %broadcast_in_dim3A_182 = arith.constant 7 : i32
      %broadcast_in_dim3A_183 = vector.broadcast %broadcast_in_dim3A_182 : i32 to vector<16xi32>
      %gather3A_184 = tpu.vector_load_idx %arg9[%iota3A, %broadcast_in_dim3A_183] : memref<16x16xf32, #tpu.memory_space<vmem>>[vector<16xi32>, vector<16xi32>], vector<16xf32>,
      %add3A_185 = arith.addf %add3A_181, %gather3A_184 : vector<16xf32>
      %broadcast_in_dim3A_186 = arith.constant 8 : i32
      %broadcast_in_dim3A_187 = vector.broadcast %broadcast_in_dim3A_186 : i32 to vector<16xi32>
      %gather3A_188 = tpu.vector_load_idx %arg9[%iota3A, %broadcast_in_dim3A_187] : memref<16x16xf32, #tpu.memory_space<vmem>>[vector<16xi32>, vector<16xi32>], vector<16xf32>,
      %add3A_189 = arith.addf %add3A_185, %gather3A_188 : vector<16xf32>
      %broadcast_in_dim3A_190 = arith.constant 9 : i32
      %broadcast_in_dim3A_191 = vector.broadcast %broadcast_in_dim3A_190 : i32 to vector<16xi32>
      %gather3A_192 = tpu.vector_load_idx %arg9[%iota3A, %broadcast_in_dim3A_191] : memref<16x16xf32, #tpu.memory_space<vmem>>[vector<16xi32>, vector<16xi32>], vector<16xf32>,
      %add3A_193 = arith.addf %add3A_189, %gather3A_192 : vector<16xf32>
      %broadcast_in_dim3A_194 = arith.constant 10 : i32
      %broadcast_in_dim3A_195 = vector.broadcast %broadcast_in_dim3A_194 : i32 to vector<16xi32>
      %gather3A_196 = tpu.vector_load_idx %arg9[%iota3A, %broadcast_in_dim3A_195] : memref<16x16xf32, #tpu.memory_space<vmem>>[vector<16xi32>, vector<16xi32>], vector<16xf32>,
      %add3A_197 = arith.addf %add3A_193, %gather3A_196 : vector<16xf32>
      %broadcast_in_dim3A_198 = arith.constant 11 : i32
      %broadcast_in_dim3A_199 = vector.broadcast %broadcast_in_dim3A_198 : i32 to vector<16xi32>
      %gather3A_200 = tpu.vector_load_idx %arg9[%iota3A, %broadcast_in_dim3A_199] : memref<16x16xf32, #tpu.memory_space<vmem>>[vector<16xi32>, vector<16xi32>], vector<16xf32>,
      %add3A_201 = arith.addf %add3A_197, %gather3A_200 : vector<16xf32>
      %broadcast_in_dim3A_202 = arith.constant 12 : i32
      %broadcast_in_dim3A_203 = vector.broadcast %broadcast_in_dim3A_202 : i32 to vector<16xi32>
      %gather3A_204 = tpu.vector_load_idx %arg9[%iota3A, %broadcast_in_dim3A_203] : memref<16x16xf32, #tpu.memory_space<vmem>>[vector<16xi32>, vector<16xi32>], vector<16xf32>,
      %add3A_205 = arith.addf %add3A_201, %gather3A_204 : vector<16xf32>
      %broadcast_in_dim3A_206 = arith.constant 13 : i32
      %broadcast_in_dim3A_207 = vector.broadcast %broadcast_in_dim3A_206 : i32 to vector<16xi32>
      %gather3A_208 = tpu.vector_load_idx %arg9[%iota3A, %broadcast_in_dim3A_207] : memref<16x16xf32, #tpu.memory_space<vmem>>[vector<16xi32>, vector<16xi32>], vector<16xf32>,
      %add3A_209 = arith.addf %add3A_205, %gather3A_208 : vector<16xf32>
      %broadcast_in_dim3A_210 = arith.constant 14 : i32
      %broadcast_in_dim3A_211 = vector.broadcast %broadcast_in_dim3A_210 : i32 to vector<16xi32>
      %gather3A_212 = tpu.vector_load_idx %arg9[%iota3A, %broadcast_in_dim3A_211] : memref<16x16xf32, #tpu.memory_space<vmem>>[vector<16xi32>, vector<16xi32>], vector<16xf32>,
      %add3A_213 = arith.addf %add3A_209, %gather3A_212 : vector<16xf32>
      %broadcast_in_dim3A_214 = arith.constant 15 : i32
      %broadcast_in_dim3A_215 = vector.broadcast %broadcast_in_dim3A_214 : i32 to vector<16xi32>
      %gather3A_216 = tpu.vector_load_idx %arg9[%iota3A, %broadcast_in_dim3A_215] : memref<16x16xf32, #tpu.memory_space<vmem>>[vector<16xi32>, vector<16xi32>], vector<16xf32>,
      %add3A_217 = arith.addf %add3A_213, %gather3A_216 : vector<16xf32>
      %mul3A_218 = arith.constant 16 : i32
      %mul3A_219 = arith.muli %scan3A_18, %mul3A_218 : i32
      %swap3A_220 = arith.index_cast %mul3A_219 : i32 to index
      %swap3A_221 = tpu.vector_load %arg8[%swap3A_220] {strides = array<i32>} : memref<64xf32, #tpu.memory_space<vmem>>, vector<16xf32>,
      tpu.vector_store %arg8[%swap3A_220], %add3A_217 {strides = array<i32>} : memref<64xf32, #tpu.memory_space<vmem>>, vector<16xf32>,
      %scan3A_222 = arith.constant 0 : i32
      scf.yield %scan3A_222 : i32
    }
    %scan3A_17 = arith.constant 4 : i32
    "tpu.region"() ({
      %run_scoped3A = tpu.sem_alloc : memref<!tpu.dma_semaphore, #tpu.memory_space<semaphore_mem>>
      %dma_start3A_18 = tpu.memref_slice %arg4[%mul3A_2] : memref<2048xf32, #tpu.memory_space<hbm>> -> memref<64xf32, #tpu.memory_space<hbm>>
      %dma_start3A_19 = tpu.memref_slice %arg4[%mul3A_2] : memref<2048xf32, #tpu.memory_space<hbm>> -> memref<64xf32, #tpu.memory_space<hbm>>
      tpu.enqueue_dma source(%arg8 : memref<64xf32, #tpu.memory_space<vmem>>) target(%dma_start3A_19 : memref<64xf32, #tpu.memory_space<hbm>>) target_semaphore(%run_scoped3A : memref<!tpu.dma_semaphore, #tpu.memory_space<semaphore_mem>>)
      %dma_wait3A = tpu.memref_slice %arg4[%mul3A_2] : memref<2048xf32, #tpu.memory_space<hbm>> -> memref<64xf32, #tpu.memory_space<hbm>>
      %dma_wait3A_20 = tpu.memref_slice %arg4[%mul3A_2] : memref<2048xf32, #tpu.memory_space<hbm>> -> memref<64xf32, #tpu.memory_space<hbm>>
      tpu.wait_dma2 semaphore(%run_scoped3A : memref<!tpu.dma_semaphore, #tpu.memory_space<semaphore_mem>>) src(%arg8 : memref<64xf32, #tpu.memory_space<vmem>>) dst(%dma_wait3A_20 : memref<64xf32, #tpu.memory_space<hbm>>)
      tpu.yield
    }) : () -> ()
    return
  }
}

module attributes {stable_mosaic.version = 14 : i64} {
  func.func @_tc_hi_body(%arg0: i32, %arg1: memref<1x4096xf32, #tpu.memory_space<vmem>>, %arg2: memref<512x512xf32, #tpu.memory_space<vmem>>, %arg3: memref<512x4096xi32, #tpu.memory_space<vmem>>, %arg4: memref<512x512xf32, #tpu.memory_space<vmem>>, %arg5: memref<512x512xf32, #tpu.memory_space<vmem>>, %arg6: memref<512x512xf32, #tpu.memory_space<vmem>>) attributes {dimension_semantics = [#tpu.dimension_semantics<arbitrary>], iteration_bounds = array<i64: 4>, scalar_prefetch = 0 : i64, scratch_operands = 0 : i64, tpu.core_type = #tpu.core_type<tc>, window_params = [{pipeline_mode = #tpu.pipeline_mode<synchronous>, transform_indices = @transform_0, window_bounds = array<i64: 1, 4096>}, {transform_indices = @transform_1, window_bounds = array<i64: 512, 512>}, {transform_indices = @transform_2, window_bounds = array<i64: 512, 4096>}, {pipeline_mode = #tpu.pipeline_mode<synchronous>, transform_indices = @transform_3, window_bounds = array<i64: 512, 512>}, {pipeline_mode = #tpu.pipeline_mode<synchronous>, transform_indices = @transform_4, window_bounds = array<i64: 512, 512>}, {transform_indices = @transform_5, window_bounds = array<i64: 512, 512>}]} {
    %get3A = arith.constant 0 : index
    %get3A_0 = arith.constant 0 : index
    %get3A_1 = vector.load %arg3[%get3A, %get3A_0] : memref<512x4096xi32, #tpu.memory_space<vmem>>, vector<512x4096xi32>
    %get3A_2 = arith.constant 0 : index
    %get3A_3 = arith.constant 0 : index
    %get3A_4 = vector.load %arg1[%get3A_2, %get3A_3] : memref<1x4096xf32, #tpu.memory_space<vmem>>, vector<1x4096xf32>
    %convert_element_type3A = arith.sitofp %get3A_1 : vector<512x4096xi32> to vector<512x4096xf32>
    %mul3A = vector.broadcast %get3A_4 : vector<1x4096xf32> to vector<512x4096xf32>
    %mul3A_5 = arith.mulf %convert_element_type3A, %mul3A : vector<512x4096xf32>
    %reduce_sum3A = arith.constant dense<0.000000e+00> : vector<512xf32>
    %reduce_sum3A_6 = vector.multi_reduction <add>, %mul3A_5, %reduce_sum3A [1] : vector<512x4096xf32> to vector<512xf32>
    %broadcast_in_dim3A = vector.shape_cast %reduce_sum3A_6 : vector<512xf32> to vector<512x1xf32>
    %get3A_7 = arith.constant 0 : index
    %get3A_8 = arith.constant 0 : index
    %get3A_9 = vector.load %arg5[%get3A_7, %get3A_8] : memref<512x512xf32, #tpu.memory_space<vmem>>, vector<512x512xf32>
    %reduce_sum3A_10 = arith.constant dense<0.000000e+00> : vector<512xf32>
    %reduce_sum3A_11 = vector.multi_reduction <add>, %get3A_9, %reduce_sum3A_10 [1] : vector<512x512xf32> to vector<512xf32>
    %broadcast_in_dim3A_12 = vector.shape_cast %reduce_sum3A_11 : vector<512xf32> to vector<512x1xf32>
    %get3A_13 = arith.constant 0 : index
    %get3A_14 = arith.constant 0 : index
    %get3A_15 = vector.load %arg2[%get3A_13, %get3A_14] : memref<512x512xf32, #tpu.memory_space<vmem>>, vector<512x512xf32>
    %get3A_16 = arith.constant 0 : index
    %get3A_17 = arith.constant 0 : index
    %get3A_18 = vector.load %arg4[%get3A_16, %get3A_17] : memref<512x512xf32, #tpu.memory_space<vmem>>, vector<512x512xf32>
    %dot_general3A = arith.constant dense<0.000000e+00> : vector<512x512xf32>
    %dot_general3A_19 = tpu.matmul %get3A_15, %get3A_18, %dot_general3A {dimension_numbers = #tpu.dot_dimension_numbers<[1], [1], [0], [0], [0, 0, 1, 0], [], []>, transpose_lhs_hint = false} : vector<512x512xf32>, vector<512x512xf32>, vector<512x512xf32> -> vector<512x512xf32>
    %dot_general3A_20 = arith.constant dense<0.000000e+00> : vector<512x512xf32>
    %dot_general3A_21 = tpu.matmul %broadcast_in_dim3A, %broadcast_in_dim3A_12, %dot_general3A_20 {dimension_numbers = #tpu.dot_dimension_numbers<[1], [1], [0], [0], [0, 0, 1, 0], [], []>, transpose_lhs_hint = false} : vector<512x1xf32>, vector<512x1xf32>, vector<512x512xf32> -> vector<512x512xf32>
    %add3A = arith.addf %dot_general3A_19, %dot_general3A_21 : vector<512x512xf32>
    %max3A = arith.constant 0.000000e+00 : f32
    %max3A_22 = vector.broadcast %max3A : f32 to vector<512x512xf32>
    %max3A_23 = arith.maximumf %add3A, %max3A_22 : vector<512x512xf32>
    %swap3A = arith.constant 0 : index
    %swap3A_24 = arith.constant 0 : index
    %swap3A_25 = vector.load %arg6[%swap3A, %swap3A_24] : memref<512x512xf32, #tpu.memory_space<vmem>>, vector<512x512xf32>
    tpu.vector_store %arg6[%swap3A, %swap3A_24], %max3A_23 {strides = array<i32>} : memref<512x512xf32, #tpu.memory_space<vmem>>, vector<512x512xf32>,
    return
  }
  func.func @transform_0(%arg0: i32) -> (i32, i32) {
    %c0_i32 = arith.constant 0 : i32
    %c0_i32_0 = arith.constant 0 : i32
    %c0_i32_1 = arith.constant 0 : i32
    return %c0_i32, %c0_i32_0 : i32, i32
  }
  func.func @transform_1(%arg0: i32) -> (i32, i32) {
    %add3A = arith.constant 4 : i32
    %add3A_0 = arith.addi %arg0, %add3A : i32
    %c0_i32 = arith.constant 0 : i32
    %c0_i32_1 = arith.constant 0 : i32
    return %add3A_0, %c0_i32 : i32, i32
  }
  func.func @transform_2(%arg0: i32) -> (i32, i32) {
    %add3A = arith.constant 4 : i32
    %add3A_0 = arith.addi %arg0, %add3A : i32
    %c0_i32 = arith.constant 0 : i32
    %c0_i32_1 = arith.constant 0 : i32
    return %add3A_0, %c0_i32 : i32, i32
  }
  func.func @transform_3(%arg0: i32) -> (i32, i32) {
    %c0_i32 = arith.constant 0 : i32
    %c0_i32_0 = arith.constant 0 : i32
    %c0_i32_1 = arith.constant 0 : i32
    return %c0_i32, %c0_i32_0 : i32, i32
  }
  func.func @transform_4(%arg0: i32) -> (i32, i32) {
    %c0_i32 = arith.constant 0 : i32
    %c0_i32_0 = arith.constant 0 : i32
    %c0_i32_1 = arith.constant 0 : i32
    return %c0_i32, %c0_i32_0 : i32, i32
  }
  func.func @transform_5(%arg0: i32) -> (i32, i32) {
    %add3A = arith.constant 4 : i32
    %add3A_0 = arith.addi %arg0, %add3A : i32
    %c0_i32 = arith.constant 0 : i32
    %c0_i32_1 = arith.constant 0 : i32
    return %add3A_0, %c0_i32 : i32, i32
  }
}

module attributes {stable_mosaic.version = 14 : i64} {
  func.func @_tc_lo_body(%arg0: i32, %arg1: memref<4096x512xf32, #tpu.memory_space<any>>, %arg2: memref<512x1xf32, #tpu.memory_space<vmem>>, %arg3: memref<512x512xf32, #tpu.memory_space<vmem>>, %arg4: memref<512x512xf32, #tpu.memory_space<vmem>>, %arg5: memref<512x512xf32, #tpu.memory_space<vmem>>, %arg6: memref<512x512xf32, #tpu.memory_space<vmem>>) attributes {dimension_semantics = [#tpu.dimension_semantics<arbitrary>], iteration_bounds = array<i64: 4>, scalar_prefetch = 0 : i64, scratch_operands = 0 : i64, tpu.core_type = #tpu.core_type<tc>, window_params = [{}, {transform_indices = @transform_1, window_bounds = array<i64: 512, 1>}, {transform_indices = @transform_2, window_bounds = array<i64: 512, 512>}, {pipeline_mode = #tpu.pipeline_mode<synchronous>, transform_indices = @transform_3, window_bounds = array<i64: 512, 512>}, {pipeline_mode = #tpu.pipeline_mode<synchronous>, transform_indices = @transform_4, window_bounds = array<i64: 512, 512>}, {transform_indices = @transform_5, window_bounds = array<i64: 512, 512>}]} {
    %get3A = arith.constant 0 : index
    %get3A_0 = arith.constant 0 : index
    %get3A_1 = vector.load %arg2[%get3A, %get3A_0] : memref<512x1xf32, #tpu.memory_space<vmem>>, vector<512x1xf32>
    %get3A_2 = arith.constant 0 : index
    %get3A_3 = arith.constant 0 : index
    %get3A_4 = vector.load %arg5[%get3A_2, %get3A_3] : memref<512x512xf32, #tpu.memory_space<vmem>>, vector<512x512xf32>
    %reduce_sum3A = arith.constant dense<0.000000e+00> : vector<512xf32>
    %reduce_sum3A_5 = vector.multi_reduction <add>, %get3A_4, %reduce_sum3A [1] : vector<512x512xf32> to vector<512xf32>
    %broadcast_in_dim3A = vector.shape_cast %reduce_sum3A_5 : vector<512xf32> to vector<512x1xf32>
    %get3A_6 = arith.constant 0 : index
    %get3A_7 = arith.constant 0 : index
    %get3A_8 = vector.load %arg3[%get3A_6, %get3A_7] : memref<512x512xf32, #tpu.memory_space<vmem>>, vector<512x512xf32>
    %get3A_9 = arith.constant 0 : index
    %get3A_10 = arith.constant 0 : index
    %get3A_11 = vector.load %arg4[%get3A_9, %get3A_10] : memref<512x512xf32, #tpu.memory_space<vmem>>, vector<512x512xf32>
    %dot_general3A = arith.constant dense<0.000000e+00> : vector<512x512xf32>
    %dot_general3A_12 = tpu.matmul %get3A_8, %get3A_11, %dot_general3A {dimension_numbers = #tpu.dot_dimension_numbers<[1], [1], [0], [0], [0, 0, 1, 0], [], []>, transpose_lhs_hint = false} : vector<512x512xf32>, vector<512x512xf32>, vector<512x512xf32> -> vector<512x512xf32>
    %dot_general3A_13 = arith.constant dense<0.000000e+00> : vector<512x512xf32>
    %dot_general3A_14 = tpu.matmul %get3A_1, %broadcast_in_dim3A, %dot_general3A_13 {dimension_numbers = #tpu.dot_dimension_numbers<[1], [1], [0], [0], [0, 0, 1, 0], [], []>, transpose_lhs_hint = false} : vector<512x1xf32>, vector<512x1xf32>, vector<512x512xf32> -> vector<512x512xf32>
    %add3A = arith.addf %dot_general3A_12, %dot_general3A_14 : vector<512x512xf32>
    %max3A = arith.constant 0.000000e+00 : f32
    %max3A_15 = vector.broadcast %max3A : f32 to vector<512x512xf32>
    %max3A_16 = arith.maximumf %add3A, %max3A_15 : vector<512x512xf32>
    %swap3A = arith.constant 0 : index
    %swap3A_17 = arith.constant 0 : index
    %swap3A_18 = vector.load %arg6[%swap3A, %swap3A_17] : memref<512x512xf32, #tpu.memory_space<vmem>>, vector<512x512xf32>
    tpu.vector_store %arg6[%swap3A, %swap3A_17], %max3A_16 {strides = array<i32>} : memref<512x512xf32, #tpu.memory_space<vmem>>, vector<512x512xf32>,
    return
  }
  func.func @transform_1(%arg0: i32) -> (i32, i32) {
    %c0_i32 = arith.constant 0 : i32
    %c0_i32_0 = arith.constant 0 : i32
    return %arg0, %c0_i32 : i32, i32
  }
  func.func @transform_2(%arg0: i32) -> (i32, i32) {
    %c0_i32 = arith.constant 0 : i32
    %c0_i32_0 = arith.constant 0 : i32
    return %arg0, %c0_i32 : i32, i32
  }
  func.func @transform_3(%arg0: i32) -> (i32, i32) {
    %c0_i32 = arith.constant 0 : i32
    %c0_i32_0 = arith.constant 0 : i32
    %c0_i32_1 = arith.constant 0 : i32
    return %c0_i32, %c0_i32_0 : i32, i32
  }
  func.func @transform_4(%arg0: i32) -> (i32, i32) {
    %c0_i32 = arith.constant 0 : i32
    %c0_i32_0 = arith.constant 0 : i32
    %c0_i32_1 = arith.constant 0 : i32
    return %c0_i32, %c0_i32_0 : i32, i32
  }
  func.func @transform_5(%arg0: i32) -> (i32, i32) {
    %c0_i32 = arith.constant 0 : i32
    %c0_i32_0 = arith.constant 0 : i32
    return %arg0, %c0_i32 : i32, i32
  }
}

</mosaic_0001>

<sc_bundles>
// kernel: kernel.5.cloned.1.call-start
scs
__scs_entry_jumppad:
0x0: {  	(pc) =	sbr.rel $0x88, $3  }
0x1: {  	(tag) =	ssettag $0x0;
	lr =	simm.s32 $0x1  }
0x2: {  	[smem:$0x3F9D] =	sst lr;
	_ =	strace $0xD0000000  }
0x3: {  	_ = 	snop  }
0x4: {  	_ = 	snop  }
0x5: {  	_ = 	snop  }
0x6: {  	_ = 	snop  }
0x7: {  	_ = 	snop  }
__scs_overlays_trampoline_lowered:
0x8: {  	[smem:$0x3FAC] =	sst s0  }
0x9: {  	[smem:$0x3FAD] =	sst s1  }
0xa: {  	[smem:$0x3FAE] =	sst s2  }
0xb: {  	[smem:$0x3FAF] =	sst s3  }
0xc: {  	[smem:$0x3FB0] =	sst s4  }
0xd: {  	[smem:$0x3FB1] =	sst s5  }
0xe: {  	[smem:$0x3FB2] =	sst s6  }
0xf: {  	[smem:$0x3FB3] =	sst s7  }
0x10: {  	[smem:$0x3FB4] =	sst s8  }
0x11: {  	[smem:$0x3FB5] =	sst s9;
	s0 =	simm.s32 @!p0 $0x0  }
0x12: {  	s1 =	sld [smem:$0x3F9B];
	s0 =	simm.s32 @p0 $0x1  }
0x13: {  	[smem:$0x3FB6] =	sst s0;
	s0 =	simm.s32 @!p1 $0x0  }
0x14: {  	s2 =	sld [smem:$0x3F9A];
	s0 =	simm.s32 @p1 $0x1  }
0x15: {  	[smem:$0x3FB7] =	sst s0;
	s0 =	simm.s32 @!p2 $0x0  }
0x16: {  	s3 =	sld [smem:$0x3FDB];
	s0 =	simm.s32 @p2 $0x1  }
0x17: {  	s4 =	simm.s32 $0x1BF5;
	[smem:$0x3FB9] =	sst s0  }
0x18: {  	s0 =	sld [smem:$0x3F9C];
	_ =	swait.ge [sflag:s4], $0x0  }
0x19: {  	s7 =	sld [smem:$0x3F9D]  }
0x1a: {  	s8 =	sadd.s32 $0xFFFFE003, lr  }
0x1b: {  	s9 =	sadd.s32 $0xFFFFFEF7, lr;
	s5 =	simm.s32 $0xFFFFFFFF;
	p2 =	slt.u32 s8, $0xFFFFF086  }
0x1c: {  	p1 =	slt.u32 s9, $0xF7A;
	s5 =	simm.s32 @!p2 $0x0  }
0x1d: {  	s5 =	simm.s32 @p1 $0x1;
	p0 =	seq.s32 s7, s2  }
0x1e: {  	s7 =	smul.u32 @!p0 $0xF7A, s2;
	p2 =	seq.s32 @!p0 s5, $0x0  }
0x1f: {  	s9 =	smul.u32 $0xF7A, s1;
	s8 =	simm.s32 @!p0 $0x1BF5;
	p2 =	por !p2, p0  }
0x20: {  	[sflag:s8] =	ssyncset.s32 @!p0 $0xFFFFF086;
	s6 =	sadd.s32 @!p0 s3, s7;
	s7 =	simm.s32 @!p0 $0x108  }
0x21: {  	s3 =	sadd.s32 s3, s9;
	s6 =	sadd.s32 @!p0 $0x88, s6;
	s7 =	simm.s32 @p2 $0x1082  }
0x22: {  	[simem:s7], [sflag:s8] =	dma.local @!p0 [hbm:s6], $0xF7A  }
0x23: {  	s9 =	sor.u32 $0xD0000000, s2;
	s6 =	simm.s32 $0x108;
	_ =	swait.ge @!p0 [sflag:s8], $0x0  }
0x24: {  	s3 =	sadd.s32 $0x88, s3;
	s6 =	simm.s32 @!p1 $0x1082;
	[sflag:s4] =	ssyncset.s32 $0xFFFFF086  }
0x25: {  	[simem:s6], [sflag:s4] =	dma.local [hbm:s3], $0xF7A  }
0x26: {  	[smem:$0x3F9D] =	sst s1;
	(tag) =	ssettag s2;
	_ =	strace s9  }
0x27: {  	s1 =	sld [smem:$0x3FAD]  }
0x28: {  	s2 =	sld [smem:$0x3FAE]  }
0x29: {  	s4 =	sld [smem:$0x3FB0]  }
0x2a: {  	p0 =	seq.s32 s5, $0x0;
	s5 =	sld [smem:$0x3FB1]  }
0x2b: {  	s6 =	sld [smem:$0x3FB2]  }
0x2c: {  	s7 =	sld [smem:$0x3FB3]  }
0x2d: {  	s3 =	simm.s32 $0x108;
	s8 =	sld [smem:$0x3FB4]  }
0x2e: {  	s3 =	simm.s32 @!p0 $0x1082;
	s9 =	sld [smem:$0x3FB5]  }
0x2f: {  	lr =	sadd.s32 s0, s3;
	s0 =	sld [smem:$0x3FAC]  }
0x30: {  	s3 =	sld [smem:$0x3FAF]  }
0x31: {  	[smem:$0x3FB8] =	sst s10  }
0x32: {  	s10 =	sld [smem:$0x3FB6];
	_ =	sdelay $0x3  }
0x33: {  	p0 =	seq.s32 s10, $0x1;
	s10 =	sld [smem:$0x3FB8];
	_ =	sdelay $0x3  }
0x34: {  	[smem:$0x3FB8] =	sst s10  }
0x35: {  	s10 =	sld [smem:$0x3FB7];
	_ =	sdelay $0x3  }
0x36: {  	p1 =	seq.s32 s10, $0x1;
	s10 =	sld [smem:$0x3FB8];
	_ =	sdelay $0x3  }
0x37: {  	[smem:$0x3FB8] =	sst s10  }
0x38: {  	s10 =	sld [smem:$0x3FB9]  }
0x39: {  	_ = 	snop;
	(pc) =	sbr.ind lr, $3  }
0x3a: {  	_ = 	snop  }
0x3b: {  	_ = 	snop  }
0x3c: {  	p2 =	seq.s32 s10, $0x1;
	s10 =	sld [smem:$0x3FB8]  }
0x3d: {  	_ =	shalt  }
0x3e: {  	_ =	shalt  }
0x3f: {  	_ =	shalt  }
0x40: {  	_ =	shalt  }
0x41: {  	_ =	shalt  }
0x42: {  	_ =	shalt  }
0x43: {  	_ =	shalt  }
0x44: {  	_ =	shalt  }
0x45: {  	_ =	shalt  }
0x46: {  	_ =	shalt  }
0x47: {  	_ =	shalt  }
0x48: {  	_ =	shalt  }
0x49: {  	_ =	shalt  }
0x4a: {  	_ =	shalt  }
0x4b: {  	_ =	shalt  }
0x4c: {  	_ =	shalt  }
0x4d: {  	_ =	shalt  }
0x4e: {  	_ =	shalt  }
0x4f: {  	_ =	shalt  }
0x50: {  	_ =	shalt  }
0x51: {  	_ =	shalt  }
0x52: {  	_ =	shalt  }
0x53: {  	_ =	shalt  }
0x54: {  	_ =	shalt  }
0x55: {  	_ =	shalt  }
0x56: {  	_ =	shalt  }
0x57: {  	_ =	shalt  }
0x58: {  	_ =	shalt  }
0x59: {  	_ =	shalt  }
0x5a: {  	_ =	shalt  }
0x5b: {  	_ =	shalt  }
0x5c: {  	_ =	shalt  }
0x5d: {  	_ =	shalt  }
0x5e: {  	_ =	shalt  }
0x5f: {  	_ =	shalt  }
0x60: {  	_ =	shalt  }
0x61: {  	_ =	shalt  }
0x62: {  	_ =	shalt  }
0x63: {  	_ =	shalt  }
0x64: {  	_ =	shalt  }
0x65: {  	_ =	shalt  }
0x66: {  	_ =	shalt  }
0x67: {  	_ =	shalt  }
0x68: {  	_ =	shalt  }
0x69: {  	_ =	shalt  }
0x6a: {  	_ =	shalt  }
0x6b: {  	_ =	shalt  }
0x6c: {  	_ =	shalt  }
0x6d: {  	_ =	shalt  }
0x6e: {  	_ =	shalt  }
0x6f: {  	_ =	shalt  }
0x70: {  	_ =	shalt  }
0x71: {  	_ =	shalt  }
0x72: {  	_ =	shalt  }
0x73: {  	_ =	shalt  }
0x74: {  	_ =	shalt  }
0x75: {  	_ =	shalt  }
0x76: {  	_ =	shalt  }
0x77: {  	_ =	shalt  }
0x78: {  	_ =	shalt  }
0x79: {  	_ =	shalt  }
0x7a: {  	_ =	shalt  }
0x7b: {  	_ =	shalt  }
0x7c: {  	_ =	shalt  }
0x7d: {  	_ =	shalt  }
0x7e: {  	_ =	shalt  }
0x7f: {  	_ =	shalt  }
0x80: {  	_ =	shalt  }
0x81: {  	_ =	shalt  }
0x82: {  	_ =	shalt  }
0x83: {  	_ =	shalt  }
0x84: {  	_ =	shalt  }
0x85: {  	_ =	shalt  }
0x86: {  	_ =	shalt  }
0x87: {  	_ =	shalt  }
.Lfunc_end0:
.L_simem_size_0:
called_computation_lowered:
.L_overlay_start_0:
0x88: {  	s2 =	sld [smem:$0x3FD9]  }
0x89: {  	s3 =	sld [smem:$0x3FFE];
	_ =	sdelay $0x1  }
0x8a: {  	s1 =	srdreg.scid  }
0x8b: {  	s0 =	sand.u32 $0x1, s1  }
0x8c: {  	s17 =	sshll.u32 s0, $0xA;
	s2 =	sadd.s32 s3, s2  }
0x8d: {  	s2 =	sadd.s32 s2, s17  }
0x8e: {  	[smem:$0x3FC4] =	sst s2  }
0x8f: {  	_ = 	snop  }
0x90: {  	s2 =	sld [smem:$0x3FC8];
	(tm) =	ssettm $0x1  }
0x91: {  	s18 =	sld [smem:$0x3FFB];
	_ =	sdelay $0x3  }
0x92: {  	_ =	strace s18  }
0x93: {  	s3 =	sld [smem:$0x3FFC];
	_ =	sdelay $0x3  }
0x94: {  	_ =	strace s3  }
0x95: {  	s3 =	sld [smem:$0x3FFD];
	_ =	sdelay $0x3  }
0x96: {  	_ =	strace s3  }
0x97: {  	_ =	strace $0x8FFFFFFF  }
0x98: {  	s19 =	sld [smem:$0x3FDB];
	_ =	sdelay $0x1  }
0x99: {  	s4 =	simm.s32 $_scs_section_size  }
0x9a: {  	s5 =	simm.s32 $_size__tile_overlayer_lowered;
	s6 =	simm.s32 $_tile_overlayer_lowered  }
0x9b: {  	s22 =	simm.s32 $0x1BFF;
	s21 =	sshll.u32 s6, $0x1;
	s3 =	sadd.s32 s4, s19  }
0x9c: {  	s7 =	simm.s32 $0x0;
	s20 =	sshll.u32 s5, $0x1;
	s5 =	sadd.s32 s21, s3  }
0x9d: {  	[timem:s7], [sflag:s22] =	dma.local [hbm:s5], s20  }
0x9e: {  	_ =	swait.ge [sflag:s22], s20  }
0x9f: {  	s4 =	ssub.s32 $0x0, s20;
	[sflag:s22] =	ssyncset.done $0x0  }
0xa0: {  	[sflag:s22] =	ssyncadd.s32 s4;
	_ =	sdelay $0x1  }
0xa1: {  	s23 =	simm.s32 $0x1B8B  }
0xa2: {  	_ =	swait.ge [sflag:s23], $0x1  }
0xa3: {  	[sflag:s23] =	ssyncset.done $0x0  }
0xa4: {  	s25 =	simm.s32 $0x1B8E;
	s24 =	sld [smem:$0x3FFE];
	[sflag:s23] =	ssyncadd.s32 $0xFFFFFFFF  }
0xa5: {  	s26 =	simm.s32 $execute0_lowered;
	[smem:$0x3FD2] =	sst s25  }
0xa6: {  	s5 =	sshll.u32 s26, $0x1;
	_ =	strace $0x80000046;
	[dreg:$0x1] =	wrdreg $0xFFFFFFFF  }
0xa7: {  	s28 =	simm.s32 $_size_execute0_lowered;
	s3 =	sadd.s32 s3, s5;
	[dreg:$0x0] =	wrdreg $0x0  }
0xa8: {  	s5 =	sshll.u32 s28, $0x1;
	[dreg:$0x2] =	wrdreg s3  }
0xa9: {  	[dreg:$0x3] =	wrdreg s5  }
0xaa: {  	[dreg:$0x4] =	wrdreg $0xC0  }
0xab: {  	_ =	task [dreg:s7], $0x5FFFF  }
0xac: {  	[dreg:$0x1] =	wrdreg $0xFFFFFFFF  }
0xad: {  	[dreg:$0x0] =	wrdreg $0x60  }
0xae: {  	[dreg:$0x2] =	wrdreg s2  }
0xaf: {  	[dreg:$0x3] =	wrdreg s24  }
0xb0: {  	[dreg:$0x4] =	wrdreg $0x9  }
0xb1: {  	_ =	task.clear_ibuf [dreg:s7], $0x5FFFF;
	_ =	strace $0x90000046  }
0xb2: {  	s29 =	simm.s32 $0x9;
	_ =	strace $0x80000048  }
0xb3: {  	_ =	swait.ge [sflag:s29], $0x1  }
0xb4: {  	[sflag:s29] =	ssyncadd.s32 $0xFFFFFFFF  }
0xb5: {  	_ =	strace $0x90000048  }
0xb6: {  	_ =	sfence  }
0xb7: {  	s30 =	sld [smem:$0x0];
	_ =	sdelay $0x2  }
0xb8: {  	s31 =	sshll.u32 s1, $0xD;
	s1 =	sshrl.u32 s1, $0x2  }
0xb9: {  	s3 =	sand.u32 $0x4000, s31;
	s1 =	sadd.s32 s1, s30  }
0xba: {  	s0 =	sor.u32 s3, s0;
	s1 =	sshll.u32 s1, $0x11  }
0xbb: {  	s0 =	sor.u32 s1, s0  }
0xbc: {  	s0 =	sadd.s32 $0x8F2B, s0  }
0xbd: {  	[sflag:s0] =	ssyncadd.remote.s32 $0x1  }
0xbe: {  	_ =	sfence.sel $0xFFFF  }
0xbf: {  	[dreg:$0x0] =	wrdreg $0xFFFFFFFF;
	(pc) =	sbr.abs _section_cstart, $3  }
0xc0: {  	[dreg:$0x1] =	wrdreg $0xFFFFFFFF  }
0xc1: {  	_ =	task.clear_ibuf [dreg:s7], $0x2FFFF;
	_ =	strace $0x9FFFFFFF  }
0xc2: {  	(tm) =	ssettm $0x7FFFFFFF  }
0xc3: {  	_ =	shalt  }
tec
execute0_lowered:
.L_overlay_start_1:
0x0: {  	(tag) =	ssettag $0x1  }
0x1: {  	s1 =	rddreg [dreg:$0x0]  }
0x2: {  	s0 =	rddreg [dreg:$0x1];
	s2 =	srdreg.scid  }
0x3: {  	s3 =	simm.s32 $0x0;
	s4 =	stileid.u32;
	s11 =	simm.s32 $0x3  }
0x4: {  	s14 =	simm.s32 $0x1;
	s15 =	simm.s32 $0x2;
	s16 =	simm.s32 $0x11080  }
0x5: {  	v0 =	vlaneseq.u32;
	s2 =	sand.u32 $0x1, s2;
	[smem:$0x7FF] =	sst s3;
	s4 =	sshll.u32 s4, $0x7  }
0x6: {  	s29 =	sadd.s32 $0xE00, s0;
	v0 =	vmul.u32 $0x80, v0;
	s5 =	sshll.u32 s2, $0x6;
	s2 =	ssub.s32 $0x2, s2  }
0x7: {  	_ =	strace $0x80000047;
	s5 =	sor.u32 s5, s4;
	s7 =	sshrl.u32 s2, $0x1  }
0x8: {  	[dreg:$0x3] =	wrdreg s29;
	v1 =	vor.u32 $0x1, v0;
	v2 =	vor.u32 $0x2, v0;
	v3 =	vor.u32 $0x3, v0;
	s6 =	sshll.u32 s5, $0x9;
	s2 =	ssub.s32 s2, s7  }
0x9: {  	v4 =	vor.u32 $0x4, v0;
	v5 =	vor.u32 $0x5, v0;
	v6 =	vor.u32 $0x6, v0;
	s8 =	sshrl.u32 s5, $0x3;
	s5 =	sadd.s32 s1, s6;
	s31 =	smax.u32 s2, $0x1  }
0xa: {  	v7 =	vor.u32 $0x7, v0;
	v8 =	vor.u32 $0x8, v0;
	v9 =	vor.u32 $0x9, v0;
	s0 =	sadd.s32 s8, s0;
	s30 =	sadd.s32 $0x1000, s5;
	[dreg:$0x6] =	wrdreg s31  }
0xb: {  	s18 =	simm.s32 $0x0;
	v10 =	vor.u32 $0xA, v0;
	v11 =	vor.u32 $0xB, v0;
	v12 =	vor.u32 $0xC, v0;
	s0 =	sadd.s32 $0x1000, s0;
	[dreg:$0x4] =	wrdreg s30  }
0xc: {  	v13 =	vor.u32 $0xD, v0;
	v14 =	vor.u32 $0xE, v0;
	v15 =	vor.u32 $0xF, v0;
	s7 =	sor.u32 $0x2, s8;
	s8 =	sor.u32 $0x3, s8;
	[dreg:$0x5] =	wrdreg s0  }
.LBB2_1:
0xd: {  	s0 =	rddreg [dreg:$0x3]  }
0xe: {  	[tilespmem:s3], [sflag:$0x3] =	stream.linear.gather [hbm4b:s0+s3], $0x1000, $0x38;
	[tilespmem:$0x11880] =	vst v63  }
0xf: {  	_ =	swait.ge [sflag:s11], $0x1000  }
0x10: {  	[sflag:s11] =	ssyncset.done $0x0  }
0x11: {  	s30 =	simm.s32 $0x1000;
	[sflag:s11] =	ssyncadd.s32 $0xFFFFF000  }
0x12: {  	[tilespmem:s30], [sflag:$0x1] =	stream.linear.gather [hbm4b:s5+s3], $0x8000, $0x38;
	[tilespmem:$0x11880] =	vst v63  }
0x13: {  	s2 =	simm.s32 $0x9000;
	s19 =	simm.s32 $0x0;
	s31 =	rddreg [dreg:$0x4]  }
0x14: {  	[tilespmem:s2], [sflag:$0x2] =	stream.linear.gather [hbm4b:s31+s3], $0x8000, $0x38;
	[tilespmem:$0x11880] =	vst v63  }
.LBB2_2:
0x15: {  	p0 =	por $0x0, $0x0  }
0x16: {  	s0 =	simm.s32 $0x1;
	_ =	swait.ge [sflag:s14], $0x8000;
	s12 =	simm.s32 $0x0  }
0x17: {  	s0 =	simm.s32 @!p0 $0x0;
	[sflag:s14] =	ssyncset.done $0x0;
	s21 =	sand.u32 $0x40, s12  }
0x18: {  	s2 =	sand.u32 $0xF80, s12;
	[sflag:s14] =	ssyncadd.s32 $0xFFFF8000;
	s20 =	sor.u32 $0x30, s21  }
0x19: {  	s0 =	sshll.u32 s0, $0x6;
	s29 =	sor.u32 $0x10, s21;
	v18 =	vld [tilespmem:s12+$0x0];
	s22 =	sor.u32 s20, s2  }
0x1a: {  	s13 =	sadd.s32 $0x0, s0;
	s30 =	sor.u32 s29, s2;
	v16 =	vld [tilespmem:s22+$0x0]  }
0x1b: {  	s0 =	sor.u32 $0x200, s13;
	v17 =	vld [tilespmem:s30+$0x0]  }
0x1c: {  	s4 =	sor.u32 $0x280, s13;
	v20 =	vld [tilespmem:s0+$0x1000]  }
0x1d: {  	s12 =	sand.u32 $0x7C00, s12;
	s24 =	sadd.s32 $0x30, s13;
	s25 =	sor.u32 $0x380, s13;
	v28 =	vld [tilespmem:s4+$0x1000]  }
0x1e: {  	s12 =	sadd.s32 $0x1000, s12;
	s26 =	sor.u32 $0x300, s24;
	v40 =	vld [tilespmem:s25+$0x1000]  }
0x1f: {  	s20 =	sor.u32 s20, s12;
	v19 =	vld [tilespmem:s26+$0x1000]  }
0x20: {  	s23 =	sor.u32 s29, s12;
	v21 =	vld [tilespmem:s20+$0x100]  }
0x21: {  	v23 =	vld [tilespmem:s23+$0x80]  }
0x22: {  	v24 =	vld [tilespmem:s23+$0x0]  }
0x23: {  	v25 =	vld [tilespmem:s23+$0x100]  }
0x24: {  	s6 =	sor.u32 s21, s12;
	v26 =	vld [tilespmem:s23+$0x180]  }
0x25: {  	v30 =	vld [tilespmem:s6+$0x80]  }
0x26: {  	s0 =	sadd.s32 $0x10, s13;
	v35 =	vld [tilespmem:s6+$0x100]  }
0x27: {  	s21 =	sor.u32 $0x20, s21;
	s31 =	sor.u32 $0x300, s0;
	v42 =	vld [tilespmem:s6+$0x0]  }
0x28: {  	s12 =	sor.u32 s21, s12;
	v27 =	vld [tilespmem:s31+$0x1000];
	v31 =	vcvt.s32.f32 v20;
	v28 =	vcvt.s32.f32 v28  }
0x29: {  	s9 =	sor.u32 $0x280, s0;
	v32 =	vld [tilespmem:s12+$0x180];
	v47 =	vcvt.s32.f32 v40;
	v23 =	vcvt.s32.f32 v23  }
0x2a: {  	s10 =	sor.u32 $0x200, s0;
	v34 =	vld [tilespmem:s9+$0x1000];
	v19 =	vcvt.s32.f32 v19;
	v29 =	vcvt.s32.f32 v21  }
0x2b: {  	v37 =	vld [tilespmem:s10+$0x1000];
	v26 =	vcvt.s32.f32 v26;
	v30 =	vcvt.s32.f32 v30  }
0x2c: {  	v43 =	vld [tilespmem:s12+$0x100];
	v41 =	vcvt.s32.f32 v24;
	v42 =	vcvt.s32.f32 v42  }
0x2d: {  	v46 =	vld [tilespmem:s12+$0x0];
	v36 =	vmul.f32 v31, v18;
	v33 =	vmul.f32 v28, v18  }
0x2e: {  	v21 =	vmul.f32 v23, v17;
	v23 =	vcvt.s32.f32 v25;
	v25 =	vld [tilespmem:s6+$0x180]  }
0x2f: {  	s28 =	sor.u32 $0x300, s13;
	v32 =	vcvt.s32.f32 v32;
	v28 =	vcvt.s32.f32 v35  }
0x30: {  	v22 =	vld [tilespmem:s28+$0x1000];
	v61 =	vcvt.s32.f32 v37;
	v34 =	vcvt.s32.f32 v34  }
0x31: {  	v27 =	vcvt.s32.f32 v27;
	v50 =	vcvt.s32.f32 v43  }
0x32: {  	s13 =	sadd.s32 $0x20, s13;
	v46 =	vcvt.s32.f32 v46;
	v19 =	vmul.f32 v19, v16  }
0x33: {  	s26 =	sor.u32 $0x200, s13;
	v20 =	vmul.f32 v29, v16;
	v25 =	vcvt.s32.f32 v25  }
0x34: {  	v38 =	vld [tilespmem:s26+$0x1000];
	v26 =	vmul.f32 v26, v17;
	v31 =	vmul.f32 v30, v18  }
0x35: {  	s2 =	sor.u32 s21, s2;
	v44 =	vld [tilespmem:s20+$0x180];
	v30 =	vcvt.s32.f32 v22;
	v25 =	vmul.f32 v25, v18  }
0x36: {  	s30 =	sor.u32 $0x380, s13;
	v24 =	vimm.f32 $0.0e+00;
	v22 =	vld [tilespmem:s2+$0x0];
	v49 =	vmul.f32 v42, v18;
	v62 =	vmul.f32 v28, v18  }
0x37: {  	v45 =	vld [tilespmem:s30+$0x1000];
	s31 =	sor.u32 $0x280, s24;
	v35 =	vmul.f32 v61, v17;
	v28 =	vmul.f32 v34, v17;
	v25 =	vadd.f32 v25, v24  }
0x38: {  	s17 =	sor.u32 $0x300, s13;
	v40 =	vld [tilespmem:s31+$0x1000];
	v36 =	vadd.f32 v36, v24;
	v27 =	vmul.f32 v27, v17;
	v39 =	vmul.f32 v30, v18  }
0x39: {  	v29 =	vld [tilespmem:s17+$0x1000];
	v34 =	vimm.f32 $0.0e+00;
	v30 =	vadd.f32 v26, v25;
	v25 =	vcvt.s32.f32 v38  }
0x3a: {  	s28 =	sor.u32 $0x280, s13;
	v42 =	vld [tilespmem:s20+$0x0];
	v23 =	vmul.f32 v23, v17;
	v43 =	vadd.f32 v49, v24;
	v63 =	vadd.f32 v39, v24  }
0x3b: {  	p0 =	por !p0, !p0;
	s29 =	sor.u32 $0x200, s24;
	v35 =	vadd.f32 v35, v36;
	v36 =	vmul.f32 v41, v17;
	v39 =	vld [tilespmem:s28+$0x1000];
	v48 =	vmul.f32 v25, v22  }
0x3c: {  	s22 =	simm.s32 $0x40;
	s25 =	sor.u32 $0x380, s0;
	s21 =	simm.s32 $0x0;
	v41 =	vld [tilespmem:s29+$0x1000];
	v37 =	vmul.f32 v32, v22;
	v38 =	vadd.f32 v62, v24;
	v25 =	vadd.f32 v27, v63  }
0x3d: {  	s23 =	simm.s32 $0x40;
	s0 =	sor.u32 $0x380, s24;
	s24 =	simm.s32 $0x200;
	v26 =	vld [tilespmem:s12+$0x80];
	v27 =	vmul.f32 v50, v22;
	v32 =	vadd.f32 v48, v35;
	v35 =	vimm.f32 $0.0e+00  }
.LBB2_3:
0x3e: {  	s2 =	simm.s32 $0x1  }
0x3f: {  	s13 =	sand.u32 $0x40, s22;
	s12 =	sand.u32 $0x7C00, s24;
	v24 =	vadd.f32 v33, v24;
	v33 =	vmul.f32 v47, v18;
	v44 =	vcvt.s32.f32 v44;
	v47 =	vld [tilespmem:s0+$0x1000];
	s2 =	simm.s32 @!p0 $0x0  }
0x40: {  	v31 =	vadd.f32 v31, v35;
	v35 =	vcvt.s32.f32 v39;
	v29 =	vcvt.s32.f32 v29;
	s30 =	sor.u32 $0x10, s13;
	s29 =	sor.u32 $0x30, s13;
	s0 =	sshll.u32 s2, $0x6;
	v39 =	vld [tilespmem:s20+$0x80]  }
0x41: {  	s4 =	sand.u32 $0xF80, s22;
	s17 =	sadd.s32 $0x1000, s12;
	v41 =	vcvt.s32.f32 v41;
	v33 =	vadd.f32 v33, v34;
	v34 =	vcvt.s32.f32 v45;
	s20 =	sadd.s32 s0, s24;
	v18 =	vld [tilespmem:s23+$0x0]  }
0x42: {  	v23 =	vadd.f32 v23, v38;
	v45 =	vmul.f32 v46, v22;
	v42 =	vcvt.s32.f32 v42;
	s0 =	sor.u32 $0x200, s20;
	s12 =	sadd.s32 $0x10, s20;
	s26 =	sadd.s32 $0x30, s20;
	v38 =	vld [tilespmem:s25+$0x1000]  }
0x43: {  	v36 =	vadd.f32 v36, v43;
	s6 =	sor.u32 s30, s4;
	v35 =	vmul.f32 v35, v22;
	v43 =	vmul.f32 v44, v16;
	s2 =	sor.u32 $0x280, s20;
	v46 =	vld [tilespmem:s0+$0x1000];
	s0 =	sor.u32 $0x300, s26  }
0x44: {  	v30 =	vadd.f32 v37, v30;
	s9 =	sor.u32 $0x20, s13;
	s31 =	sor.u32 s29, s4;
	v37 =	vmul.f32 v41, v16;
	s25 =	sor.u32 $0x300, s20;
	v40 =	vcvt.s32.f32 v40;
	v44 =	vld [tilespmem:s0+$0x1000]  }
0x45: {  	v24 =	vadd.f32 v28, v24;
	s28 =	sadd.s32 $0x20, s20;
	s0 =	sor.u32 $0x380, s20;
	s20 =	sor.u32 s29, s17;
	v41 =	vld [tilespmem:s31+$0x0];
	v28 =	vcvt.s32.f32 v39;
	v39 =	vcvt.s32.f32 v47  }
0x46: {  	v26 =	vcvt.s32.f32 v26;
	v29 =	vmul.f32 v29, v22;
	v32 =	vadd.f32 v37, v32;
	s29 =	sor.u32 s9, s4;
	s31 =	sor.u32 s13, s17;
	v47 =	vld [tilespmem:s25+$0x1000];
	s25 =	sor.u32 $0x380, s12  }
0x47: {  	s21 =	sadd.s32 $0x4, s21;
	v24 =	vadd.f32 v35, v24;
	s4 =	sor.u32 s30, s17;
	v35 =	vmul.f32 v40, v16;
	v37 =	vld [tilespmem:s20+$0x100];
	v38 =	vcvt.s32.f32 v38  }
0x48: {  	p1 =	slt.u32 s21, $0xFC;
	v25 =	vadd.f32 v29, v25;
	v30 =	vadd.f32 v43, v30;
	s30 =	sor.u32 s9, s17;
	v28 =	vmul.f32 v28, v16;
	v40 =	vld [tilespmem:s4+$0x80]  }
0x49: {  	v36 =	vadd.f32 v45, v36;
	s9 =	sor.u32 $0x200, s12;
	v29 =	vmul.f32 v38, v17;
	v17 =	vld [tilespmem:s6+$0x0];
	v38 =	vmul.f32 v42, v16  }
0x4a: {  	v21 =	vadd.f32 v21, v31;
	v26 =	vmul.f32 v26, v22;
	v25 =	vadd.f32 v19, v25;
	s6 =	sor.u32 $0x280, s12;
	v42 =	vld [tilespmem:s4+$0x0]  }
0x4b: {  	v22 =	vmul.f32 v34, v22;
	s12 =	sor.u32 $0x300, s12;
	v19 =	vld [tilespmem:s4+$0x100];
	v29 =	vadd.f32 v29, v33;
	v43 =	vadd.f32 v38, v36  }
0x4c: {  	v21 =	vadd.f32 v26, v21;
	v24 =	vadd.f32 v35, v24;
	v26 =	vmul.f32 v39, v16;
	v16 =	vmovc v41;
	v31 =	vld [tilespmem:s4+$0x180]  }
0x4d: {  	v23 =	vadd.f32 v27, v23;
	v33 =	vcvt.s32.f32 v40;
	v36 =	vld [tilespmem:s12+$0x1000];
	v22 =	vadd.f32 v22, v29  }
0x4e: {  	v35 =	vadd.f32 v28, v21;
	v29 =	vcvt.s32.f32 v37;
	v37 =	vcvt.s32.f32 v44;
	v27 =	vld [tilespmem:s6+$0x1000]  }
0x4f: {  	v38 =	vadd.f32 v20, v23;
	v28 =	vld [tilespmem:s2+$0x1000];
	v21 =	vmul.f32 v33, v17;
	s2 =	sor.u32 $0x380, s28;
	v34 =	vadd.f32 v26, v22  }
0x50: {  	s4 =	sor.u32 $0x300, s28;
	v22 =	vld [tilespmem:s31+$0x80];
	v20 =	vcvt.s32.f32 v19;
	v19 =	vmul.f32 v37, v16  }
0x51: {  	s6 =	sor.u32 $0x200, s28;
	v33 =	vcvt.s32.f32 v46;
	v26 =	vld [tilespmem:s31+$0x180];
	v31 =	vcvt.s32.f32 v31  }
0x52: {  	v23 =	vmul.f32 v20, v17;
	v37 =	vld [tilespmem:s30+$0x180];
	v20 =	vmul.f32 v29, v16  }
0x53: {  	v40 =	vld [tilespmem:s0+$0x1000];
	v39 =	vmul.f32 v31, v17  }
0x54: {  	v29 =	vmul.f32 v33, v18;
	v41 =	vld [tilespmem:s31+$0x100];
	v28 =	vcvt.s32.f32 v28  }
0x55: {  	v22 =	vcvt.s32.f32 v22;
	v44 =	vld [tilespmem:s9+$0x1000]  }
0x56: {  	v32 =	vadd.f32 v29, v32;
	v26 =	vcvt.s32.f32 v26;
	v33 =	vmul.f32 v28, v18;
	v29 =	vld [tilespmem:s4+$0x1000]  }
0x57: {  	v31 =	vmul.f32 v22, v18;
	v37 =	vcvt.s32.f32 v37;
	v45 =	vld [tilespmem:s6+$0x1000]  }
0x58: {  	v42 =	vcvt.s32.f32 v42;
	v46 =	vld [tilespmem:s31+$0x0];
	v22 =	vmul.f32 v26, v18  }
0x59: {  	v28 =	vcvt.s32.f32 v47;
	v26 =	vcvt.s32.f32 v41;
	v48 =	vld [tilespmem:s30+$0x0]  }
0x5a: {  	v27 =	vcvt.s32.f32 v27;
	v30 =	vadd.f32 v22, v30;
	v41 =	vcvt.s32.f32 v44;
	v22 =	vld [tilespmem:s29+$0x0]  }
0x5b: {  	v28 =	vmul.f32 v28, v18;
	v47 =	vmul.f32 v26, v18;
	v49 =	vld [tilespmem:s30+$0x100]  }
0x5c: {  	v36 =	vcvt.s32.f32 v36;
	s0 =	sor.u32 $0x280, s28;
	v30 =	vadd.f32 v39, v30;
	v41 =	vmul.f32 v41, v17;
	v26 =	vld [tilespmem:s30+$0x80]  }
0x5d: {  	v25 =	vadd.f32 v28, v25;
	v28 =	vmul.f32 v27, v17;
	v27 =	vcvt.s32.f32 v45;
	v39 =	vld [tilespmem:s0+$0x1000]  }
.Ltmp0:
0x5e: {  	v45 =	vcvt.s32.f32 v46;
	v46 =	vmul.f32 v36, v17;
	s0 =	sor.u32 $0x200, s26;
	v32 =	vadd.f32 v41, v32;
	v44 =	vld [tilespmem:s20+$0x180];
	(pc) =	sbr.rel @p1 .LBB2_3-.Ltmp0, $4  }
0x5f: {  	v38 =	vadd.f32 v47, v38;
	v36 =	vmul.f32 v42, v17;
	v27 =	vmul.f32 v27, v22;
	v41 =	vld [tilespmem:s0+$0x1000]  }
0x60: {  	v50 =	vmul.f32 v45, v18;
	v25 =	vadd.f32 v46, v25;
	v49 =	vcvt.s32.f32 v49;
	v45 =	vld [tilespmem:s2+$0x1000]  }
0x61: {  	s22 =	sadd.s32 $0x40, s22;
	s23 =	sadd.s32 $0x40, s23;
	v47 =	vcvt.s32.f32 v40;
	v37 =	vmul.f32 v37, v22;
	s0 =	sor.u32 $0x280, s26;
	v32 =	vadd.f32 v27, v32;
	v42 =	vld [tilespmem:s20+$0x0]  }
0x62: {  	p0 =	por !p0, !p0;
	s24 =	sadd.s32 $0x200, s24;
	v46 =	vcvt.s32.f32 v48;
	v43 =	vadd.f32 v50, v43;
	v27 =	vmul.f32 v49, v22;
	v40 =	vld [tilespmem:s0+$0x1000];
	s0 =	sor.u32 $0x380, s26  }
0x63: {  	v18 =	vmul.f32 v47, v18  }
0x64: {  	v24 =	vadd.f32 v33, v24;
	v57 =	vcvt.s32.f32 v44;
	v39 =	vcvt.s32.f32 v39  }
0x65: {  	v31 =	vadd.f32 v31, v35;
	v29 =	vcvt.s32.f32 v29;
	v23 =	vadd.f32 v23, v38  }
0x66: {  	v58 =	vld [tilespmem:s20+$0x80];
	v26 =	vcvt.s32.f32 v26;
	v30 =	vadd.f32 v37, v30;
	v60 =	vcvt.s32.f32 v41  }
0x67: {  	v62 =	vld [tilespmem:s25+$0x1000];
	v61 =	vmul.f32 v46, v22;
	v36 =	vadd.f32 v36, v43;
	v59 =	vcvt.s32.f32 v45  }
0x68: {  	v18 =	vadd.f32 v18, v34;
	v39 =	vmul.f32 v39, v22;
	v33 =	vmul.f32 v57, v16  }
0x69: {  	v21 =	vadd.f32 v21, v31;
	v26 =	vmul.f32 v26, v22;
	v24 =	vadd.f32 v28, v24  }
0x6a: {  	v63 =	vld [tilespmem:s0+$0x1000];
	v23 =	vadd.f32 v27, v23;
	v27 =	vmul.f32 v29, v22;
	v42 =	vcvt.s32.f32 v42  }
0x6b: {  	v34 =	vmul.f32 v60, v16;
	v28 =	vadd.f32 v61, v36;
	v47 =	vcvt.s32.f32 v40  }
0x6c: {  	v21 =	vadd.f32 v26, v21;
	v35 =	vcvt.s32.f32 v58;
	v48 =	vcvt.s32.f32 v62  }
0x6d: {  	v24 =	vadd.f32 v39, v24;
	v20 =	vadd.f32 v20, v23;
	v31 =	vmul.f32 v42, v16  }
0x6e: {  	v23 =	vadd.f32 v33, v30;
	v35 =	vmul.f32 v35, v16;
	v17 =	vmul.f32 v48, v17  }
0x6f: {  	v26 =	vcvt.s32.f32 v63;
	v29 =	vmul.f32 v47, v16;
	[tilespmem:$0x11180] =	vst v20;
	v28 =	vadd.f32 v31, v28  }
0x70: {  	[tilespmem:$0x11200] =	vst v23;
	v21 =	vadd.f32 v35, v21;
	v17 =	vadd.f32 v17, v18;
	v18 =	vmul.f32 v59, v22  }
0x71: {  	v20 =	vadd.f32 v29, v24;
	[tilespmem:$0x11080] =	vst v28;
	v22 =	vadd.f32 v27, v25  }
0x72: {  	s20 =	sshll.u32 s19, $0x1;
	p0 =	seq.s32 s19, $0x3;
	v16 =	vmul.f32 v26, v16;
	[tilespmem:$0x11100] =	vst v21;
	v21 =	vadd.f32 v34, v32;
	v17 =	vadd.f32 v18, v17  }
0x73: {  	s0 =	sadd.s32 @!p0 s20, s7;
	[tilespmem:$0x11300] =	vst v20;
	v18 =	vadd.f32 v19, v22  }
0x74: {  	s0 =	sshll.u32 @!p0 s0, $0xC;
	[tilespmem:$0x11280] =	vst v21;
	v16 =	vadd.f32 v16, v17  }
0x75: {  	s22 =	simm.s32 $0x0;
	s0 =	sand.u32 @!p0 $0x1FFFE000, s0;
	[tilespmem:$0x11380] =	vst v18  }
0x76: {  	s2 =	simm.s32 @!p0 $0x0;
	s4 =	simm.s32 @!p0 $0x1000;
	s0 =	sadd.s32 @!p0 s1, s0;
	[tilespmem:$0x11400] =	vst v16  }
0x77: {  	[tilespmem:s4], [sflag:$0x1] =	stream.linear.gather @!p0 [hbm4b:s0+s2], $0x8000, $0x38;
	[tilespmem:$0x11880] =	vst v63  }
0x78: {  	s9 =	sand.u32 $0x40, s22;
	_ =	swait.ge [sflag:s15], $0x8000  }
0x79: {  	s12 =	sor.u32 $0x30, s9;
	[sflag:s15] =	ssyncset.done $0x0  }
0x7a: {  	s2 =	sand.u32 $0xF80, s22;
	s4 =	sand.u32 $0x7C00, s22;
	[sflag:s15] =	ssyncadd.s32 $0xFFFF8000  }
0x7b: {  	s13 =	sor.u32 s12, s2;
	s4 =	sadd.s32 $0x9000, s4;
	v18 =	vld [tilespmem:s22+$0x0]  }
0x7c: {  	s26 =	sor.u32 $0x10, s9;
	s21 =	sor.u32 s12, s4;
	v16 =	vld [tilespmem:s13+$0x0]  }
0x7d: {  	s28 =	sor.u32 s26, s4;
	v21 =	vld [tilespmem:s21+$0x100]  }
0x7e: {  	s29 =	sor.u32 s26, s2;
	v23 =	vld [tilespmem:s28+$0x80]  }
0x7f: {  	v17 =	vld [tilespmem:s29+$0x0]  }
0x80: {  	p1 =	por $0x0, $0x0;
	v24 =	vld [tilespmem:s28+$0x0]  }
0x81: {  	s0 =	simm.s32 $0x1;
	s10 =	sor.u32 s9, s4;
	s9 =	sor.u32 $0x20, s9;
	v26 =	vld [tilespmem:s28+$0x180]  }
0x82: {  	s0 =	simm.s32 @!p1 $0x0;
	s4 =	sor.u32 s9, s4;
	v30 =	vld [tilespmem:s10+$0x80]  }
0x83: {  	s0 =	sshll.u32 s0, $0x6;
	v49 =	vld [tilespmem:s4+$0x180]  }
0x84: {  	s6 =	sadd.s32 $0x0, s0;
	v57 =	vld [tilespmem:s10+$0x0]  }
0x85: {  	s0 =	sor.u32 $0x200, s6;
	v62 =	vld [tilespmem:s4+$0x0]  }
0x86: {  	s31 =	sor.u32 $0x280, s6;
	v20 =	vld [tilespmem:s0+$0x9000]  }
0x87: {  	s25 =	sadd.s32 $0x30, s6;
	s17 =	sor.u32 $0x380, s6;
	v28 =	vld [tilespmem:s31+$0x9000]  }
0x88: {  	s23 =	sor.u32 $0x300, s25;
	v54 =	vld [tilespmem:s17+$0x9000]  }
0x89: {  	v19 =	vld [tilespmem:s23+$0x9000];
	v23 =	vcvt.s32.f32 v23;
	v29 =	vcvt.s32.f32 v21  }
0x8a: {  	v25 =	vld [tilespmem:s28+$0x100];
	v26 =	vcvt.s32.f32 v26;
	v30 =	vcvt.s32.f32 v30  }
0x8b: {  	s24 =	sor.u32 $0x300, s6;
	v51 =	vld [tilespmem:s10+$0x100];
	s0 =	sadd.s32 $0x10, s6;
	v32 =	vcvt.s32.f32 v49;
	v56 =	vcvt.s32.f32 v24  }
0x8c: {  	v22 =	vld [tilespmem:s24+$0x9000];
	s30 =	sor.u32 $0x300, s0;
	v42 =	vcvt.s32.f32 v57;
	v46 =	vcvt.s32.f32 v62  }
0x8d: {  	s23 =	sor.u32 $0x200, s0;
	v27 =	vld [tilespmem:s30+$0x9000];
	v31 =	vcvt.s32.f32 v20;
	v28 =	vcvt.s32.f32 v28  }
0x8e: {  	v53 =	vld [tilespmem:s23+$0x9000];
	v47 =	vcvt.s32.f32 v54;
	v19 =	vcvt.s32.f32 v19  }
0x8f: {  	s22 =	sor.u32 $0x280, s0;
	v21 =	vmul.f32 v23, v17;
	v23 =	vcvt.s32.f32 v25;
	v25 =	vld [tilespmem:s10+$0x180]  }
0x90: {  	v50 =	vld [tilespmem:s22+$0x9000];
	v20 =	vmul.f32 v29, v16;
	v26 =	vmul.f32 v26, v17  }
0x91: {  	v61 =	vld [tilespmem:s4+$0x100];
	v49 =	vmul.f32 v42, v18;
	v52 =	vmul.f32 v31, v18  }
0x92: {  	v33 =	vmul.f32 v28, v18;
	v31 =	vmul.f32 v30, v18  }
0x93: {  	s6 =	sadd.s32 $0x20, s6;
	v28 =	vcvt.s32.f32 v51;
	v30 =	vcvt.s32.f32 v22  }
0x94: {  	s26 =	sor.u32 $0x200, s6;
	v58 =	vcvt.s32.f32 v53;
	v25 =	vcvt.s32.f32 v25  }
0x95: {  	v55 =	vld [tilespmem:s26+$0x9000];
	v34 =	vcvt.s32.f32 v50;
	v27 =	vcvt.s32.f32 v27  }
0x96: {  	s2 =	sor.u32 s9, s2;
	v44 =	vld [tilespmem:s21+$0x180];
	v50 =	vcvt.s32.f32 v61;
	v25 =	vmul.f32 v25, v18  }
0x97: {  	s29 =	sor.u32 $0x200, s25;
	v24 =	vimm.f32 $0.0e+00;
	v22 =	vld [tilespmem:s2+$0x0];
	v19 =	vmul.f32 v19, v16;
	v23 =	vmul.f32 v23, v17  }
0x98: {  	s31 =	sor.u32 $0x280, s25;
	v41 =	vld [tilespmem:s29+$0x9000];
	v43 =	vadd.f32 v49, v24;
	v59 =	vmul.f32 v28, v18;
	v25 =	vadd.f32 v25, v24  }
0x99: {  	s28 =	sor.u32 $0x280, s6;
	v40 =	vld [tilespmem:s31+$0x9000];
	v60 =	vmul.f32 v30, v18;
	v36 =	vadd.f32 v52, v24;
	v35 =	vmul.f32 v58, v17  }
0x9a: {  	v39 =	vld [tilespmem:s28+$0x9000];
	s30 =	sor.u32 $0x380, s6;
	v28 =	vmul.f32 v34, v17;
	v30 =	vadd.f32 v26, v25;
	v25 =	vcvt.s32.f32 v55  }
0x9b: {  	s24 =	sor.u32 $0x300, s6;
	v45 =	vld [tilespmem:s30+$0x9000];
	v27 =	vmul.f32 v27, v17;
	v34 =	vimm.f32 $0.0e+00;
	v63 =	vadd.f32 v60, v24  }
0x9c: {  	p1 =	por !p1, !p1;
	v29 =	vld [tilespmem:s24+$0x9000];
	v35 =	vadd.f32 v35, v36;
	v36 =	vmul.f32 v56, v17;
	v48 =	vmul.f32 v25, v22  }
0x9d: {  	s26 =	sor.u32 $0x380, s0;
	s22 =	simm.s32 $0x0;
	s23 =	simm.s32 $0x40;
	v42 =	vld [tilespmem:s21+$0x0];
	v38 =	vadd.f32 v59, v24;
	v37 =	vmul.f32 v32, v22;
	v25 =	vadd.f32 v27, v63  }
0x9e: {  	s0 =	sor.u32 $0x380, s25;
	s25 =	simm.s32 $0x200;
	s24 =	simm.s32 $0x40;
	v26 =	vld [tilespmem:s4+$0x80];
	v27 =	vmul.f32 v50, v22;
	v32 =	vadd.f32 v48, v35;
	v35 =	vimm.f32 $0.0e+00  }
.LBB2_5:
0x9f: {  	s2 =	simm.s32 $0x1  }
0xa0: {  	s4 =	sand.u32 $0x40, s23;
	s6 =	sand.u32 $0x7C00, s25;
	v24 =	vadd.f32 v33, v24;
	v33 =	vmul.f32 v47, v18;
	v44 =	vcvt.s32.f32 v44;
	v47 =	vld [tilespmem:s0+$0x9000];
	s2 =	simm.s32 @!p1 $0x0  }
0xa1: {  	v31 =	vadd.f32 v31, v35;
	v35 =	vcvt.s32.f32 v39;
	v29 =	vcvt.s32.f32 v29;
	s9 =	sor.u32 $0x10, s4;
	s17 =	sor.u32 $0x30, s4;
	s0 =	sshll.u32 s2, $0x6;
	v39 =	vld [tilespmem:s21+$0x80]  }
0xa2: {  	s30 =	sand.u32 $0xF80, s23;
	s6 =	sadd.s32 $0x9000, s6;
	v41 =	vcvt.s32.f32 v41;
	v33 =	vadd.f32 v33, v34;
	v34 =	vcvt.s32.f32 v45;
	s0 =	sadd.s32 s0, s25;
	v18 =	vld [tilespmem:s24+$0x0]  }
0xa3: {  	v23 =	vadd.f32 v23, v38;
	v45 =	vmul.f32 v46, v22;
	v42 =	vcvt.s32.f32 v42;
	s2 =	sor.u32 $0x200, s0;
	s13 =	sadd.s32 $0x10, s0;
	s28 =	sadd.s32 $0x30, s0;
	v38 =	vld [tilespmem:s26+$0x9000]  }
0xa4: {  	v36 =	vadd.f32 v36, v43;
	s10 =	sor.u32 s9, s30;
	v35 =	vmul.f32 v35, v22;
	v43 =	vmul.f32 v44, v16;
	s12 =	sor.u32 $0x280, s0;
	v46 =	vld [tilespmem:s2+$0x9000];
	s2 =	sor.u32 $0x300, s28  }
0xa5: {  	v30 =	vadd.f32 v37, v30;
	s31 =	sor.u32 $0x20, s4;
	s21 =	sor.u32 s17, s30;
	v37 =	vmul.f32 v41, v16;
	s26 =	sor.u32 $0x300, s0;
	v40 =	vcvt.s32.f32 v40;
	v44 =	vld [tilespmem:s2+$0x9000]  }
0xa6: {  	v24 =	vadd.f32 v28, v24;
	s29 =	sadd.s32 $0x20, s0;
	s2 =	sor.u32 $0x380, s0;
	v41 =	vld [tilespmem:s21+$0x0];
	s21 =	sor.u32 s17, s6;
	v28 =	vcvt.s32.f32 v39;
	v39 =	vcvt.s32.f32 v47  }
0xa7: {  	v26 =	vcvt.s32.f32 v26;
	s30 =	sor.u32 s31, s30;
	v29 =	vmul.f32 v29, v22;
	v32 =	vadd.f32 v37, v32;
	s0 =	sor.u32 s4, s6;
	v47 =	vld [tilespmem:s26+$0x9000];
	s26 =	sor.u32 $0x380, s13  }
0xa8: {  	s22 =	sadd.s32 $0x4, s22;
	v24 =	vadd.f32 v35, v24;
	s4 =	sor.u32 s9, s6;
	v35 =	vmul.f32 v40, v16;
	v37 =	vld [tilespmem:s21+$0x100];
	v38 =	vcvt.s32.f32 v38  }
0xa9: {  	p2 =	slt.u32 s22, $0xFC;
	s31 =	sor.u32 s31, s6;
	v25 =	vadd.f32 v29, v25;
	v30 =	vadd.f32 v43, v30;
	v28 =	vmul.f32 v28, v16;
	v40 =	vld [tilespmem:s4+$0x80]  }
0xaa: {  	v36 =	vadd.f32 v45, v36;
	s6 =	sor.u32 $0x200, s13;
	v29 =	vmul.f32 v38, v17;
	v17 =	vld [tilespmem:s10+$0x0];
	v38 =	vmul.f32 v42, v16  }
0xab: {  	v21 =	vadd.f32 v21, v31;
	v26 =	vmul.f32 v26, v22;
	s9 =	sor.u32 $0x280, s13;
	v25 =	vadd.f32 v19, v25;
	v42 =	vld [tilespmem:s4+$0x0]  }
0xac: {  	v22 =	vmul.f32 v34, v22;
	s10 =	sor.u32 $0x300, s13;
	v19 =	vld [tilespmem:s4+$0x100];
	v29 =	vadd.f32 v29, v33;
	v43 =	vadd.f32 v38, v36  }
0xad: {  	v21 =	vadd.f32 v26, v21;
	v24 =	vadd.f32 v35, v24;
	v26 =	vmul.f32 v39, v16;
	v16 =	vmovc v41;
	v31 =	vld [tilespmem:s4+$0x180]  }
0xae: {  	v23 =	vadd.f32 v27, v23;
	v33 =	vcvt.s32.f32 v40;
	v36 =	vld [tilespmem:s10+$0x9000];
	v22 =	vadd.f32 v22, v29  }
0xaf: {  	v35 =	vadd.f32 v28, v21;
	v29 =	vcvt.s32.f32 v37;
	v37 =	vcvt.s32.f32 v44;
	v27 =	vld [tilespmem:s9+$0x9000]  }
0xb0: {  	v38 =	vadd.f32 v20, v23;
	v28 =	vld [tilespmem:s12+$0x9000];
	v21 =	vmul.f32 v33, v17;
	s12 =	sor.u32 $0x380, s29;
	v34 =	vadd.f32 v26, v22  }
0xb1: {  	s4 =	sor.u32 $0x300, s29;
	v22 =	vld [tilespmem:s0+$0x80];
	v20 =	vcvt.s32.f32 v19;
	v19 =	vmul.f32 v37, v16  }
0xb2: {  	s9 =	sor.u32 $0x200, s29;
	v33 =	vcvt.s32.f32 v46;
	v26 =	vld [tilespmem:s0+$0x180];
	v31 =	vcvt.s32.f32 v31  }
0xb3: {  	v23 =	vmul.f32 v20, v17;
	v37 =	vld [tilespmem:s31+$0x180];
	v20 =	vmul.f32 v29, v16  }
0xb4: {  	v40 =	vld [tilespmem:s2+$0x9000];
	v39 =	vmul.f32 v31, v17  }
0xb5: {  	v29 =	vmul.f32 v33, v18;
	v41 =	vld [tilespmem:s0+$0x100];
	v28 =	vcvt.s32.f32 v28  }
0xb6: {  	v22 =	vcvt.s32.f32 v22;
	v44 =	vld [tilespmem:s6+$0x9000]  }
0xb7: {  	v32 =	vadd.f32 v29, v32;
	v26 =	vcvt.s32.f32 v26;
	v33 =	vmul.f32 v28, v18;
	v29 =	vld [tilespmem:s4+$0x9000]  }
0xb8: {  	v31 =	vmul.f32 v22, v18;
	v37 =	vcvt.s32.f32 v37;
	v45 =	vld [tilespmem:s9+$0x9000]  }
0xb9: {  	v42 =	vcvt.s32.f32 v42;
	v46 =	vld [tilespmem:s0+$0x0];
	v22 =	vmul.f32 v26, v18  }
0xba: {  	v28 =	vcvt.s32.f32 v47;
	v26 =	vcvt.s32.f32 v41;
	v48 =	vld [tilespmem:s31+$0x0]  }
0xbb: {  	v27 =	vcvt.s32.f32 v27;
	v30 =	vadd.f32 v22, v30;
	v41 =	vcvt.s32.f32 v44;
	v22 =	vld [tilespmem:s30+$0x0]  }
0xbc: {  	v28 =	vmul.f32 v28, v18;
	v47 =	vmul.f32 v26, v18;
	v49 =	vld [tilespmem:s31+$0x100]  }
0xbd: {  	v36 =	vcvt.s32.f32 v36;
	s0 =	sor.u32 $0x280, s29;
	v30 =	vadd.f32 v39, v30;
	v41 =	vmul.f32 v41, v17;
	v26 =	vld [tilespmem:s31+$0x80]  }
0xbe: {  	v25 =	vadd.f32 v28, v25;
	v28 =	vmul.f32 v27, v17;
	v27 =	vcvt.s32.f32 v45;
	v39 =	vld [tilespmem:s0+$0x9000]  }
.Ltmp1:
0xbf: {  	v45 =	vcvt.s32.f32 v46;
	v46 =	vmul.f32 v36, v17;
	s0 =	sor.u32 $0x200, s28;
	v32 =	vadd.f32 v41, v32;
	v44 =	vld [tilespmem:s21+$0x180];
	(pc) =	sbr.rel @p2 .LBB2_5-.Ltmp1, $4  }
0xc0: {  	v38 =	vadd.f32 v47, v38;
	v36 =	vmul.f32 v42, v17;
	v27 =	vmul.f32 v27, v22;
	v41 =	vld [tilespmem:s0+$0x9000]  }
0xc1: {  	v50 =	vmul.f32 v45, v18;
	v25 =	vadd.f32 v46, v25;
	v49 =	vcvt.s32.f32 v49;
	v45 =	vld [tilespmem:s12+$0x9000]  }
0xc2: {  	s23 =	sadd.s32 $0x40, s23;
	s24 =	sadd.s32 $0x40, s24;
	v47 =	vcvt.s32.f32 v40;
	v37 =	vmul.f32 v37, v22;
	s0 =	sor.u32 $0x280, s28;
	v32 =	vadd.f32 v27, v32;
	v42 =	vld [tilespmem:s21+$0x0]  }
0xc3: {  	p1 =	por !p1, !p1;
	s25 =	sadd.s32 $0x200, s25;
	v46 =	vcvt.s32.f32 v48;
	v43 =	vadd.f32 v50, v43;
	v27 =	vmul.f32 v49, v22;
	v40 =	vld [tilespmem:s0+$0x9000];
	s0 =	sor.u32 $0x380, s28  }
0xc4: {  	v18 =	vmul.f32 v47, v18;
	v24 =	vadd.f32 v33, v24;
	v57 =	vcvt.s32.f32 v44  }
0xc5: {  	v39 =	vcvt.s32.f32 v39;
	v31 =	vadd.f32 v31, v35;
	v29 =	vcvt.s32.f32 v29  }
0xc6: {  	v23 =	vadd.f32 v23, v38;
	v26 =	vcvt.s32.f32 v26;
	v30 =	vadd.f32 v37, v30  }
0xc7: {  	v62 =	vld [tilespmem:s26+$0x9000];
	v60 =	vcvt.s32.f32 v41;
	v61 =	vmul.f32 v46, v22;
	v36 =	vadd.f32 v36, v43  }
0xc8: {  	v59 =	vcvt.s32.f32 v45;
	v18 =	vadd.f32 v18, v34;
	v39 =	vmul.f32 v39, v22  }
0xc9: {  	v58 =	vld [tilespmem:s21+$0x80];
	v33 =	vmul.f32 v57, v16;
	v21 =	vadd.f32 v21, v31;
	v26 =	vmul.f32 v26, v22  }
0xca: {  	v63 =	vld [tilespmem:s0+$0x9000];
	v24 =	vadd.f32 v28, v24;
	v23 =	vadd.f32 v27, v23;
	v47 =	vmul.f32 v29, v22  }
0xcb: {  	v42 =	vcvt.s32.f32 v42;
	v34 =	vmul.f32 v60, v16;
	v41 =	vadd.f32 v61, v36  }
0xcc: {  	v40 =	vcvt.s32.f32 v40;
	v24 =	vadd.f32 v39, v24;
	v43 =	vcvt.s32.f32 v62  }
0xcd: {  	v20 =	vadd.f32 v20, v23;
	v49 =	vadd.f32 v33, v30;
	v50 =	vmul.f32 v59, v22  }
0xce: {  	v52 =	vadd.f32 v47, v25;
	v35 =	vcvt.s32.f32 v58;
	v17 =	vmul.f32 v43, v17  }
0xcf: {  	v42 =	vmul.f32 v42, v16;
	v46 =	vcvt.s32.f32 v63;
	v51 =	vadd.f32 v34, v32;
	[tilespmem:$0x11580] =	vst v20  }
0xd0: {  	v48 =	vmul.f32 v40, v16;
	[tilespmem:$0x11600] =	vst v49;
	v54 =	vadd.f32 v19, v52;
	v17 =	vadd.f32 v17, v18  }
0xd1: {  	v21 =	vadd.f32 v26, v21;
	v35 =	vmul.f32 v35, v16;
	v28 =	vadd.f32 v42, v41;
	[tilespmem:$0x11680] =	vst v51  }
0xd2: {  	v16 =	vmul.f32 v46, v16;
	v53 =	vadd.f32 v48, v24;
	[tilespmem:$0x11780] =	vst v54;
	v17 =	vadd.f32 v50, v17  }
0xd3: {  	v21 =	vadd.f32 v35, v21;
	[tilespmem:$0x11480] =	vst v28  }
0xd4: {  	s0 =	sadd.s32 @!p0 s20, s8;
	[tilespmem:$0x11700] =	vst v53;
	v16 =	vadd.f32 v16, v17  }
0xd5: {  	s0 =	sshll.u32 @!p0 s0, $0xC;
	[tilespmem:$0x11500] =	vst v21  }
0xd6: {  	s2 =	simm.s32 @!p0 $0x0;
	s4 =	simm.s32 @!p0 $0x9000;
	s0 =	sadd.s32 @!p0 s1, s0;
	[tilespmem:$0x11800] =	vst v16  }
0xd7: {  	[tilespmem:s4], [sflag:$0x2] =	stream.linear.gather @!p0 [hbm4b:s0+s2], $0x8000, $0x38;
	[tilespmem:$0x11880] =	vst v63  }
0xd8: {  	v16 =	vld.idx.msk [tilespmem:v0+s16+$0x0], $0xffff;
	_ =	sdelay $0x1  }
0xd9: {  	v17 =	vld.idx.msk [tilespmem:v1+s16+$0x0], $0xffff;
	_ =	sdelay $0x1  }
0xda: {  	v18 =	vld.idx.msk [tilespmem:v2+s16+$0x0], $0xffff  }
0xdb: {  	v16 =	vadd.f32 $0.0e+00, v16  }
0xdc: {  	v55 =	vld.idx.msk [tilespmem:v3+s16+$0x0], $0xffff  }
0xdd: {  	v16 =	vadd.f32 v17, v16  }
0xde: {  	v17 =	vld.idx.msk [tilespmem:v4+s16+$0x0], $0xffff  }
0xdf: {  	v16 =	vadd.f32 v18, v16  }
0xe0: {  	v56 =	vld.idx.msk [tilespmem:v5+s16+$0x0], $0xffff  }
0xe1: {  	v16 =	vadd.f32 v55, v16  }
0xe2: {  	v57 =	vld.idx.msk [tilespmem:v6+s16+$0x0], $0xffff  }
0xe3: {  	v16 =	vadd.f32 v17, v16  }
0xe4: {  	v17 =	vld.idx.msk [tilespmem:v7+s16+$0x0], $0xffff  }
0xe5: {  	v16 =	vadd.f32 v56, v16  }
0xe6: {  	v58 =	vld.idx.msk [tilespmem:v8+s16+$0x0], $0xffff  }
0xe7: {  	v16 =	vadd.f32 v57, v16  }
0xe8: {  	v59 =	vld.idx.msk [tilespmem:v9+s16+$0x0], $0xffff  }
0xe9: {  	v16 =	vadd.f32 v17, v16  }
0xea: {  	v17 =	vld.idx.msk [tilespmem:v10+s16+$0x0], $0xffff  }
0xeb: {  	v16 =	vadd.f32 v58, v16  }
0xec: {  	v60 =	vld.idx.msk [tilespmem:v11+s16+$0x0], $0xffff  }
0xed: {  	v16 =	vadd.f32 v59, v16  }
0xee: {  	v61 =	vld.idx.msk [tilespmem:v12+s16+$0x0], $0xffff  }
0xef: {  	v16 =	vadd.f32 v17, v16  }
0xf0: {  	v17 =	vld.idx.msk [tilespmem:v13+s16+$0x0], $0xffff  }
0xf1: {  	v16 =	vadd.f32 v60, v16  }
0xf2: {  	v62 =	vld.idx.msk [tilespmem:v14+s16+$0x0], $0xffff  }
0xf3: {  	v16 =	vadd.f32 v61, v16  }
0xf4: {  	v63 =	vld.idx.msk [tilespmem:v15+s16+$0x0], $0xffff  }
0xf5: {  	s31 =	sshll.u32 s19, $0x4;
	s19 =	sadd.s32 $0x1, s19;
	v16 =	vadd.f32 v17, v16  }
0xf6: {  	p0 =	sne.s32 s19, $0x4  }
.Ltmp2:
0xf7: {  	v16 =	vadd.f32 v62, v16;
	(pc) =	sbr.rel @p0 .LBB2_2-.Ltmp2, $4  }
0xf8: {  	_ = 	snop  }
0xf9: {  	v16 =	vadd.f32 v63, v16  }
0xfa: {  	s0 =	sand.u32 $0x3FFFFFF0, s31  }
0xfb: {  	[tilespmem:s0+$0x11000] =	vst v16  }
0xfc: {  	s0 =	rddreg [dreg:$0x5];
	s2 =	simm.s32 $0x11000  }
0xfd: {  	[hbm4b:s0+s3] =	stream.linear.scatter [tilespmem:s2], [sflag:$0x3], $0x40, $0x38;
	[tilespmem:$0x11880] =	vst v63  }
0xfe: {  	_ =	swait.ge [sflag:s11], $0x40  }
0xff: {  	s18 =	sadd.s32 $0x1, s18;
	s31 =	rddreg [dreg:$0x6]  }
0x100: {  	p0 =	sne.s32 s18, s31  }
.Ltmp3:
0x101: {  	_ = 	snop;
	(pc) =	sbr.rel @p0 .LBB2_1-.Ltmp3, $3  }
0x102: {  	_ =	sdelay $0x1  }
0x103: {  	[sflag:s11] =	ssyncset.done $0x0  }
0x104: {  	[sflag:s11] =	ssyncadd.s32 $0xFFFFFFC0  }
0x105: {  	_ =	sfence.sel $0x180000  }
0x106: {  	[bflag:$0x0] =	sbarrier.arrive $0xFFFF  }
0x107: {  	_ =	strace $0x90000047  }
0x108: {  	s0 =	stileid.u32;
	[bflag:$0x2] =	sbarrier.arrive $0xFFFF  }
0x109: {  	p0 =	sne.s32 s0, $0x0;
	s0 =	rddreg [dreg:$0x2]  }
0x10a: {  	s0 =	sadd.s32 @!p0 $0x100000, s0  }
0x10b: {  	[sflag:s0] =	ssyncadd.tile.s32 @!p0 $0x1;
	_ =	shalt  }
.Lfunc_end2:
_tile_overlayer_lowered:
.L_overlay_start_2:
0x10c: {  	(tag) =	ssettag $0x2  }
0x10d: {  	s0 =	rddreg [dreg:$0x0];
	s2 =	stileid.u32  }
0x10e: {  	s1 =	rddreg [dreg:$0x1];
	p0 =	sne.s32 s2, $0x0  }
0x10f: {  	s3 =	rddreg [dreg:$0x2];
	[bflag:$0x3] =	sbarrier.arrive $0xFFFF;
	s2 =	simm.s32 @!p0 $0x1C03  }
0x110: {  	[timem:s3], [sflag:s2] =	dma.local @!p0 [hbm:s0], s1  }
0x111: {  	s0 =	simm.s32 @!p0 $0x3  }
0x112: {  	_ =	swait.ge @!p0 [sflag:s0], s1  }
0x113: {  	s1 =	ssub.s32 @!p0 $0x0, s1;
	[sflag:s0] =	ssyncset.done @!p0 $0x0  }
0x114: {  	[sflag:s0] =	ssyncadd.s32 @!p0 s1  }
0x115: {  	[bflag:$0x3] =	sbarrier.arrive $0xFFFF  }
0x116: {  	_ =	shalt  }

</sc_bundles>
